<compile_context>
chip_gen: v7x
topology: tpu7x:2x2x1
jax: 0.10.2.dev20260603
libtpu: 0.0.44.dev20260713+nightly
codegen_flags: <defaults>
</compile_context>

<pallas_src>
import functools

import jax
import jax.numpy as jnp
from jax import lax
from jax.experimental import pallas as pl
from jax.experimental.pallas import tpu as pltpu
from jax.experimental.pallas import tpu_sc as plsc

NC = 2
NS = 16
NW = NC * NS



def _hist_body(ei_hbm, zeros_hbm, ones_hbm, deg_hbm, deg_sh, ixd0, ixd1,
               ones_v, si0, si1, ss0, ss1, *, n_pad, n_edges, epw, chunk):
  cid = lax.axis_index("c")
  sid = lax.axis_index("s")
  wid = cid * NS + sid
  rows = n_pad // NS
  sl = pl.ds(sid * rows, rows)
  pltpu.sync_copy(zeros_hbm.at[sl], deg_sh.at[sl])
  pltpu.sync_copy(ones_hbm, ones_v)
  plsc.subcore_barrier()

  base = wid * epw
  nch = epw // chunk
  half = nch // 2
  slots = ((ixd0, si0, ss0), (ixd1, si1, ss1))
  pltpu.async_copy(ei_hbm.at[pl.ds(n_edges + base, chunk)], ixd0, si0)

  def outer(k, _):
    for u in (0, 1):
      i = 2 * k + u
      ixd, si, ss = slots[u]
      oxd, osi, oss = slots[1 - u]
      pltpu.make_async_copy(
          ei_hbm.at[pl.ds(n_edges + base + i * chunk, chunk)], ixd, si).wait()

      def wait_prev():
        pltpu.make_async_copy(ones_v, deg_sh.at[oxd], oss).wait()

      if u == 1:
        wait_prev()
      else:
        pl.when(k > 0)(wait_prev)

      def prefetch():
        b2 = n_edges + base + (i + 1) * chunk
        pltpu.async_copy(ei_hbm.at[pl.ds(b2, chunk)], oxd, osi)

      if u == 0:
        prefetch()
      else:
        pl.when(k < half - 1)(prefetch)
      pltpu.async_copy(ones_v, deg_sh.at[ixd], ss, add=True)
    return 0

  lax.fori_loop(0, half, outer, 0)
  lslot = slots[(nch - 1) % 2]
  pltpu.make_async_copy(ones_v, deg_sh.at[lslot[0]], lslot[2]).wait()
  plsc.subcore_barrier()
  pltpu.sync_copy(deg_sh.at[sl], deg_hbm.at[cid, sl])


def _agg_body(ei_hbm, feat_hbm, zeros_hbm, out_hbm, f0_sh, f1_sh, a0_sh, a1_sh,
              ixs0, ixd0, ra0, rb0, ixs1, ixd1, ra1, rb1,
              si0, si1, sg0, sg1, ss0, ss1, *, n_pad, n_edges, epw, chunk):
  cid = lax.axis_index("c")
  sid = lax.axis_index("s")
  wid = cid * NS + sid
  rows = n_pad // NS
  sl = pl.ds(sid * rows, rows)
  pltpu.sync_copy(feat_hbm.at[sl], f0_sh.at[sl])
  pltpu.sync_copy(feat_hbm.at[pl.ds(n_pad + sid * rows, rows)], f1_sh.at[sl])
  pltpu.sync_copy(zeros_hbm.at[sl], a0_sh.at[sl])
  pltpu.sync_copy(zeros_hbm.at[sl], a1_sh.at[sl])
  plsc.subcore_barrier()

  base = wid * epw
  nch = epw // chunk
  half = nch // 2
  slots = ((ixs0, ixd0, ra0, rb0, si0, sg0, ss0),
           (ixs1, ixd1, ra1, rb1, si1, sg1, ss1))
  pltpu.async_copy(ei_hbm.at[pl.ds(base, chunk)], ixs0, si0)
  pltpu.async_copy(ei_hbm.at[pl.ds(n_edges + base, chunk)], ixd0, si0)

  def outer(k, _):
    for u in (0, 1):
      i = 2 * k + u
      ixs, ixd, ra, rb, si, sg, ss = slots[u]
      oxs, oxd, ora, orb, osi, osg, oss = slots[1 - u]
      b = base + i * chunk
      pltpu.make_async_copy(ei_hbm.at[pl.ds(b, chunk)], ixs, si).wait()
      pltpu.make_async_copy(
          ei_hbm.at[pl.ds(n_edges + b, chunk)], ixd, si).wait()
      pltpu.async_copy(f0_sh.at[ixs], ra, sg)
      pltpu.async_copy(f1_sh.at[ixs], rb, sg)

      def wait_prev():
        pltpu.make_async_copy(ora, a0_sh.at[oxd], oss).wait()
        pltpu.make_async_copy(orb, a1_sh.at[oxd], oss).wait()

      if u == 1:
        wait_prev()
      else:
        pl.when(k > 0)(wait_prev)

      def prefetch():
        b2 = base + (i + 1) * chunk
        pltpu.async_copy(ei_hbm.at[pl.ds(b2, chunk)], oxs, osi)
        pltpu.async_copy(ei_hbm.at[pl.ds(n_edges + b2, chunk)], oxd, osi)

      if u == 0:
        prefetch()
      else:
        pl.when(k < half - 1)(prefetch)
      pltpu.make_async_copy(f0_sh.at[ixs], ra, sg).wait()
      pltpu.make_async_copy(f1_sh.at[ixs], rb, sg).wait()
      pltpu.async_copy(ra, a0_sh.at[ixd], ss, add=True)
      pltpu.async_copy(rb, a1_sh.at[ixd], ss, add=True)
    return 0

  lax.fori_loop(0, half, outer, 0)
  lslot = slots[(nch - 1) % 2]
  pltpu.make_async_copy(lslot[2], a0_sh.at[lslot[1]], lslot[6]).wait()
  pltpu.make_async_copy(lslot[3], a1_sh.at[lslot[1]], lslot[6]).wait()
  plsc.subcore_barrier()
  pltpu.sync_copy(a0_sh.at[sl], out_hbm.at[cid, sl])
  pltpu.sync_copy(a1_sh.at[sl], out_hbm.at[cid, pl.ds(n_pad + sid * rows, rows)])


def _make_sc_kernels(n_pad, n_edges, hchunk, achunk):
  epw = n_edges // NW
  mesh = plsc.VectorSubcoreMesh(
      core_axis_name="c", subcore_axis_name="s", num_cores=NC)
  sc_params = pltpu.CompilerParams(use_tc_tiling_on_sc=False)
  hist = pl.kernel(
      functools.partial(_hist_body, n_pad=n_pad, n_edges=n_edges, epw=epw,
                        chunk=hchunk),
      out_type=jax.ShapeDtypeStruct((NC, n_pad), jnp.float32),
      mesh=mesh,
      compiler_params=sc_params,
      scratch_types=[
          pltpu.VMEM_SHARED((n_pad,), jnp.float32),
          pltpu.VMEM((hchunk,), jnp.int32),
          pltpu.VMEM((hchunk,), jnp.int32),
          pltpu.VMEM((hchunk,), jnp.float32),
          pltpu.SemaphoreType.DMA,
          pltpu.SemaphoreType.DMA,
          pltpu.SemaphoreType.DMA,
          pltpu.SemaphoreType.DMA,
      ],
  )
  agg = pl.kernel(
      functools.partial(_agg_body, n_pad=n_pad, n_edges=n_edges, epw=epw,
                        chunk=achunk),
      out_type=jax.ShapeDtypeStruct((NC, 2 * n_pad), jnp.float32),
      mesh=mesh,
      compiler_params=sc_params,
      scratch_types=[
          pltpu.VMEM_SHARED((n_pad,), jnp.float32),
          pltpu.VMEM_SHARED((n_pad,), jnp.float32),
          pltpu.VMEM_SHARED((n_pad,), jnp.float32),
          pltpu.VMEM_SHARED((n_pad,), jnp.float32),
          pltpu.VMEM((achunk,), jnp.int32),
          pltpu.VMEM((achunk,), jnp.int32),
          pltpu.VMEM((achunk,), jnp.float32),
          pltpu.VMEM((achunk,), jnp.float32),
          pltpu.VMEM((achunk,), jnp.int32),
          pltpu.VMEM((achunk,), jnp.int32),
          pltpu.VMEM((achunk,), jnp.float32),
          pltpu.VMEM((achunk,), jnp.float32),
          pltpu.SemaphoreType.DMA,
          pltpu.SemaphoreType.DMA,
          pltpu.SemaphoreType.DMA,
          pltpu.SemaphoreType.DMA,
          pltpu.SemaphoreType.DMA,
          pltpu.SemaphoreType.DMA,
      ],
  )
  return hist, agg



def _d1_body(degp, xT, dinv, uT):
  deg = degp[0, :][None, :] + degp[1, :][None, :] + 1.0
  di = lax.rsqrt(deg)
  dinv[...] = di
  uT[...] = di * xT[...]


def _d2_body(s1t, dinv, xT, W1, b1, W2, pT, gT):
  di = dinv[...]
  s = s1t[0] + s1t[1]
  y1 = di * s + (di * di) * xT[...]
  h = lax.dot_general(W1[...], y1, (((0,), (0,)), ((), ())),
                      preferred_element_type=jnp.float32)
  h = jnp.maximum(h + b1[...], 0.0)
  g = lax.dot_general(W2[...], h, (((0,), (0,)), ((), ())),
                      preferred_element_type=jnp.float32)
  gT[...] = g
  pT[...] = di * g


def _d3_body(s2t, dinv, gT, b2, outT):
  di = dinv[...]
  s = s2t[0] + s2t[1]
  y = di * s + (di * di) * gT[...] + b2[...]
  m = jnp.max(y, axis=0, keepdims=True)
  lse = jnp.log(jnp.exp(y[0:1] - m) + jnp.exp(y[1:2] - m)) + m
  outT[...] = y - lse


def _make_tc_kernels(n_pad, blk):
  grid = (n_pad // blk,)
  col = lambda r: pl.BlockSpec((r, blk), lambda i: (0, i))
  full = lambda shape: pl.BlockSpec(shape, lambda i: (0,) * len(shape))
  d1 = pl.pallas_call(
      _d1_body,
      grid=grid,
      in_specs=[col(NC), col(2)],
      out_specs=[col(1), col(2)],
      out_shape=[jax.ShapeDtypeStruct((1, n_pad), jnp.float32),
                 jax.ShapeDtypeStruct((2, n_pad), jnp.float32)],
  )
  d2 = pl.pallas_call(
      _d2_body,
      grid=grid,
      in_specs=[pl.BlockSpec((NC, 2, blk), lambda i: (0, 0, i)),
                col(1), col(2), full((2, 16)), full((16, 1)), full((16, 2))],
      out_specs=[col(2), col(2)],
      out_shape=[jax.ShapeDtypeStruct((2, n_pad), jnp.float32),
                 jax.ShapeDtypeStruct((2, n_pad), jnp.float32)],
  )
  d3 = pl.pallas_call(
      _d3_body,
      grid=grid,
      in_specs=[pl.BlockSpec((NC, 2, blk), lambda i: (0, 0, i)),
                col(1), col(2), full((2, 1))],
      out_specs=col(2),
      out_shape=jax.ShapeDtypeStruct((2, n_pad), jnp.float32),
  )
  return d1, d2, d3



def kernel(x, edge_index, W1, b1, W2, b2):
  n = x.shape[0]
  n_edges = edge_index.shape[1]
  n_pad = 102400
  hchunk = 25000
  achunk = 10000
  blk = 12800
  assert n <= n_pad and n_edges % (NW * hchunk) == 0
  assert n_edges % (NW * achunk) == 0

  hist, agg = _make_sc_kernels(n_pad, n_edges, hchunk, achunk)
  d1, d2, d3 = _make_tc_kernels(n_pad, blk)

  ei_flat = jnp.reshape(edge_index, (-1,))
  zeros1 = jnp.zeros((n_pad,), jnp.float32)
  ones_c = jnp.ones((hchunk,), jnp.float32)
  xT = jnp.zeros((2, n_pad), jnp.float32).at[:, :n].set(x.T)

  deg_p = hist(ei_flat, zeros1, ones_c)
  dinv, uT = d1(deg_p, xT)
  s1 = agg(ei_flat, jnp.reshape(uT, (-1,)), zeros1)
  s1t = jnp.reshape(s1, (NC, 2, n_pad))
  pT, gT = d2(s1t, dinv, xT, W1, b1[:, None], W2)
  s2 = agg(ei_flat, jnp.reshape(pT, (-1,)), zeros1)
  s2t = jnp.reshape(s2, (NC, 2, n_pad))
  outT = d3(s2t, dinv, gT, b2[:, None])
  return jnp.transpose(outT[:, :n])

# --- scband reference (transcript-rebuilt; emitter-appended) ---
"""Pipeline reference for scband-simple-gnn-40742059769925 (READ-ONLY COPY).

The authoritative reference and input builder live on the scoring server;
editing this copy changes nothing except your own understanding.
"""

import jax, jax.numpy as jnp
import numpy as np

N_NODES = 100000
N_EDGES = 6400000

def setup_inputs(seed: int = 0) -> dict:
    key = jax.random.key(seed)
    k1, k2, k3, k4, k5, k6 = jax.random.split(key, 6)
    x = jax.random.normal(k1, (N_NODES, 2), dtype=jnp.float32)
    edge_index = jax.random.randint(k2, (2, N_EDGES), 0, N_NODES, dtype=jnp.int32)
    # Glorot-style init for GCN linear weights, zero bias (PyG default)
    W1 = jax.random.normal(k3, (2, 16), dtype=jnp.float32) * (1.0 / np.sqrt(2.0))
    b1 = jnp.zeros((16,), dtype=jnp.float32)
    W2 = jax.random.normal(k4, (16, 2), dtype=jnp.float32) * (1.0 / np.sqrt(16.0))
    b2 = jnp.zeros((2,), dtype=jnp.float32)
    return {"x": x, "edge_index": edge_index, "W1": W1, "b1": b1, "W2": W2, "b2": b2}


def _gcn_conv(x, src, dst, W, b, num_nodes):
    # x' = D^{-1/2} (A + I) D^{-1/2} X W + b  (PyG GCNConv defaults)
    ew = jnp.ones(src.shape[0], dtype=x.dtype)
    deg = jax.ops.segment_sum(ew, dst, num_segments=num_nodes)
    deg_inv_sqrt = jnp.where(deg > 0, deg ** -0.5, 0.0)
    norm = deg_inv_sqrt[src] * deg_inv_sqrt[dst]
    xw = x @ W
    msg = jnp.take(xw, src, axis=0) * norm[:, None]
    out = jax.ops.segment_sum(msg, dst, num_segments=num_nodes)
    return out + b


def reference(x, edge_index, W1, b1, W2, b2):
    num_nodes = x.shape[0]
    loop = jnp.arange(num_nodes, dtype=edge_index.dtype)
    src = jnp.concatenate([edge_index[0], loop])
    dst = jnp.concatenate([edge_index[1], loop])
    h = _gcn_conv(x, src, dst, W1, b1, num_nodes)
    h = jax.nn.relu(h)
    h = _gcn_conv(h, src, dst, W2, b2, num_nodes)
    return jax.nn.log_softmax(h, axis=1)

if __name__ == "__main__":
    import jax
    _d = setup_inputs()
    print(jax.jit(kernel)(*tuple(_d.values())))

</pallas_src>

<mosaic_0001>
#map = affine_map<(d0, d1) -> (0)>
#map1 = affine_map<(d0, d1) -> (0, 0)>
module attributes {stable_mosaic.version = 14 : i64} {
  func.func @_agg_body(%arg0: i32, %arg1: i32, %arg2: memref<12800000xi32, #tpu.memory_space<hbm>>, %arg3: memref<204800xf32, #tpu.memory_space<hbm>>, %arg4: memref<102400xf32, #tpu.memory_space<hbm>>, %arg5: memref<2x204800xf32, #tpu.memory_space<hbm>>, %arg6: memref<102400xf32, #tpu.memory_space<vmem_shared>>, %arg7: memref<102400xf32, #tpu.memory_space<vmem_shared>>, %arg8: memref<102400xf32, #tpu.memory_space<vmem_shared>>, %arg9: memref<102400xf32, #tpu.memory_space<vmem_shared>>, %arg10: memref<10000xi32, #tpu.memory_space<vmem>>, %arg11: memref<10000xi32, #tpu.memory_space<vmem>>, %arg12: memref<10000xf32, #tpu.memory_space<vmem>>, %arg13: memref<10000xf32, #tpu.memory_space<vmem>>, %arg14: memref<10000xi32, #tpu.memory_space<vmem>>, %arg15: memref<10000xi32, #tpu.memory_space<vmem>>, %arg16: memref<10000xf32, #tpu.memory_space<vmem>>, %arg17: memref<10000xf32, #tpu.memory_space<vmem>>, %arg18: memref<!tpu.dma_semaphore, #tpu.memory_space<semaphore_mem>>, %arg19: memref<!tpu.dma_semaphore, #tpu.memory_space<semaphore_mem>>, %arg20: memref<!tpu.dma_semaphore, #tpu.memory_space<semaphore_mem>>, %arg21: memref<!tpu.dma_semaphore, #tpu.memory_space<semaphore_mem>>, %arg22: memref<!tpu.dma_semaphore, #tpu.memory_space<semaphore_mem>>, %arg23: memref<!tpu.dma_semaphore, #tpu.memory_space<semaphore_mem>>) attributes {dimension_semantics = [#tpu.dimension_semantics<core_parallel>, #tpu.dimension_semantics<subcore_parallel>], iteration_bounds = array<i64: 2, 16>, scalar_prefetch = 0 : i64, scratch_operands = 18 : i64, tpu.core_type = #tpu.core_type<sc_vector_subcore>, window_params = [{transform_indices = #map}, {transform_indices = #map}, {transform_indices = #map}, {transform_indices = #map1}]} {
    %mul3A = arith.constant 16 : i32
    %mul3A_0 = arith.muli %arg0, %mul3A : i32
    %add3A = arith.addi %mul3A_0, %arg1 : i32
    %mul3A_1 = arith.constant 6400 : i32
    %mul3A_2 = arith.muli %arg1, %mul3A_1 : i32
    "tpu.region"() ({
      %run_scoped3A = tpu.sem_alloc : memref<!tpu.dma_semaphore, #tpu.memory_space<semaphore_mem>>
      %dma_start3A_28 = tpu.memref_slice %arg6[%mul3A_2] : memref<102400xf32, #tpu.memory_space<vmem_shared>> -> memref<6400xf32, #tpu.memory_space<vmem_shared>>
      %dma_start3A_29 = tpu.memref_slice %arg3[%mul3A_2] : memref<204800xf32, #tpu.memory_space<hbm>> -> memref<6400xf32, #tpu.memory_space<hbm>>
      tpu.enqueue_dma source(%dma_start3A_29 : memref<6400xf32, #tpu.memory_space<hbm>>) target(%dma_start3A_28 : memref<6400xf32, #tpu.memory_space<vmem_shared>>) target_semaphore(%run_scoped3A : memref<!tpu.dma_semaphore, #tpu.memory_space<semaphore_mem>>)
      %dma_wait3A_30 = tpu.memref_slice %arg6[%mul3A_2] : memref<102400xf32, #tpu.memory_space<vmem_shared>> -> memref<6400xf32, #tpu.memory_space<vmem_shared>>
      %dma_wait3A_31 = tpu.memref_slice %arg3[%mul3A_2] : memref<204800xf32, #tpu.memory_space<hbm>> -> memref<6400xf32, #tpu.memory_space<hbm>>
      tpu.wait_dma2 semaphore(%run_scoped3A : memref<!tpu.dma_semaphore, #tpu.memory_space<semaphore_mem>>) src(%dma_wait3A_31 : memref<6400xf32, #tpu.memory_space<hbm>>) dst(%dma_wait3A_30 : memref<6400xf32, #tpu.memory_space<vmem_shared>>)
      tpu.yield
    }) : () -> ()
    %mul3A_3 = arith.constant 6400 : i32
    %mul3A_4 = arith.muli %arg1, %mul3A_3 : i32
    %add3A_5 = arith.constant 102400 : i32
    %add3A_6 = arith.addi %add3A_5, %mul3A_4 : i32
    "tpu.region"() ({
      %run_scoped3A = tpu.sem_alloc : memref<!tpu.dma_semaphore, #tpu.memory_space<semaphore_mem>>
      %dma_start3A_28 = tpu.memref_slice %arg7[%mul3A_2] : memref<102400xf32, #tpu.memory_space<vmem_shared>> -> memref<6400xf32, #tpu.memory_space<vmem_shared>>
      %dma_start3A_29 = tpu.memref_slice %arg3[%add3A_6] : memref<204800xf32, #tpu.memory_space<hbm>> -> memref<6400xf32, #tpu.memory_space<hbm>>
      tpu.enqueue_dma source(%dma_start3A_29 : memref<6400xf32, #tpu.memory_space<hbm>>) target(%dma_start3A_28 : memref<6400xf32, #tpu.memory_space<vmem_shared>>) target_semaphore(%run_scoped3A : memref<!tpu.dma_semaphore, #tpu.memory_space<semaphore_mem>>)
      %dma_wait3A_30 = tpu.memref_slice %arg7[%mul3A_2] : memref<102400xf32, #tpu.memory_space<vmem_shared>> -> memref<6400xf32, #tpu.memory_space<vmem_shared>>
      %dma_wait3A_31 = tpu.memref_slice %arg3[%add3A_6] : memref<204800xf32, #tpu.memory_space<hbm>> -> memref<6400xf32, #tpu.memory_space<hbm>>
      tpu.wait_dma2 semaphore(%run_scoped3A : memref<!tpu.dma_semaphore, #tpu.memory_space<semaphore_mem>>) src(%dma_wait3A_31 : memref<6400xf32, #tpu.memory_space<hbm>>) dst(%dma_wait3A_30 : memref<6400xf32, #tpu.memory_space<vmem_shared>>)
      tpu.yield
    }) : () -> ()
    "tpu.region"() ({
      %run_scoped3A = tpu.sem_alloc : memref<!tpu.dma_semaphore, #tpu.memory_space<semaphore_mem>>
      %dma_start3A_28 = tpu.memref_slice %arg8[%mul3A_2] : memref<102400xf32, #tpu.memory_space<vmem_shared>> -> memref<6400xf32, #tpu.memory_space<vmem_shared>>
      %dma_start3A_29 = tpu.memref_slice %arg4[%mul3A_2] : memref<102400xf32, #tpu.memory_space<hbm>> -> memref<6400xf32, #tpu.memory_space<hbm>>
      tpu.enqueue_dma source(%dma_start3A_29 : memref<6400xf32, #tpu.memory_space<hbm>>) target(%dma_start3A_28 : memref<6400xf32, #tpu.memory_space<vmem_shared>>) target_semaphore(%run_scoped3A : memref<!tpu.dma_semaphore, #tpu.memory_space<semaphore_mem>>)
      %dma_wait3A_30 = tpu.memref_slice %arg8[%mul3A_2] : memref<102400xf32, #tpu.memory_space<vmem_shared>> -> memref<6400xf32, #tpu.memory_space<vmem_shared>>
      %dma_wait3A_31 = tpu.memref_slice %arg4[%mul3A_2] : memref<102400xf32, #tpu.memory_space<hbm>> -> memref<6400xf32, #tpu.memory_space<hbm>>
      tpu.wait_dma2 semaphore(%run_scoped3A : memref<!tpu.dma_semaphore, #tpu.memory_space<semaphore_mem>>) src(%dma_wait3A_31 : memref<6400xf32, #tpu.memory_space<hbm>>) dst(%dma_wait3A_30 : memref<6400xf32, #tpu.memory_space<vmem_shared>>)
      tpu.yield
    }) : () -> ()
    "tpu.region"() ({
      %run_scoped3A = tpu.sem_alloc : memref<!tpu.dma_semaphore, #tpu.memory_space<semaphore_mem>>
      %dma_start3A_28 = tpu.memref_slice %arg9[%mul3A_2] : memref<102400xf32, #tpu.memory_space<vmem_shared>> -> memref<6400xf32, #tpu.memory_space<vmem_shared>>
      %dma_start3A_29 = tpu.memref_slice %arg4[%mul3A_2] : memref<102400xf32, #tpu.memory_space<hbm>> -> memref<6400xf32, #tpu.memory_space<hbm>>
      tpu.enqueue_dma source(%dma_start3A_29 : memref<6400xf32, #tpu.memory_space<hbm>>) target(%dma_start3A_28 : memref<6400xf32, #tpu.memory_space<vmem_shared>>) target_semaphore(%run_scoped3A : memref<!tpu.dma_semaphore, #tpu.memory_space<semaphore_mem>>)
      %dma_wait3A_30 = tpu.memref_slice %arg9[%mul3A_2] : memref<102400xf32, #tpu.memory_space<vmem_shared>> -> memref<6400xf32, #tpu.memory_space<vmem_shared>>
      %dma_wait3A_31 = tpu.memref_slice %arg4[%mul3A_2] : memref<102400xf32, #tpu.memory_space<hbm>> -> memref<6400xf32, #tpu.memory_space<hbm>>
      tpu.wait_dma2 semaphore(%run_scoped3A : memref<!tpu.dma_semaphore, #tpu.memory_space<semaphore_mem>>) src(%dma_wait3A_31 : memref<6400xf32, #tpu.memory_space<hbm>>) dst(%dma_wait3A_30 : memref<6400xf32, #tpu.memory_space<vmem_shared>>)
      tpu.yield
    }) : () -> ()
    %barrier3A = arith.constant 0 : index
    tpu.barrier barrier_id(%barrier3A)
    %mul3A_7 = arith.constant 200000 : i32
    %mul3A_8 = arith.muli %add3A, %mul3A_7 : i32
    %dma_start3A = tpu.memref_slice %arg2[%mul3A_8] : memref<12800000xi32, #tpu.memory_space<hbm>> -> memref<10000xi32, #tpu.memory_space<hbm>>
    %dma_start3A_9 = tpu.memref_slice %arg2[%mul3A_8] : memref<12800000xi32, #tpu.memory_space<hbm>> -> memref<10000xi32, #tpu.memory_space<hbm>>
    tpu.enqueue_dma source(%dma_start3A_9 : memref<10000xi32, #tpu.memory_space<hbm>>) target(%arg10 : memref<10000xi32, #tpu.memory_space<vmem>>) target_semaphore(%arg18 : memref<!tpu.dma_semaphore, #tpu.memory_space<semaphore_mem>>)
    %add3A_10 = arith.constant 6400000 : i32
    %add3A_11 = arith.addi %add3A_10, %mul3A_8 : i32
    %dma_start3A_12 = tpu.memref_slice %arg2[%add3A_11] : memref<12800000xi32, #tpu.memory_space<hbm>> -> memref<10000xi32, #tpu.memory_space<hbm>>
    %dma_start3A_13 = tpu.memref_slice %arg2[%add3A_11] : memref<12800000xi32, #tpu.memory_space<hbm>> -> memref<10000xi32, #tpu.memory_space<hbm>>
    tpu.enqueue_dma source(%dma_start3A_13 : memref<10000xi32, #tpu.memory_space<hbm>>) target(%arg11 : memref<10000xi32, #tpu.memory_space<vmem>>) target_semaphore(%arg18 : memref<!tpu.dma_semaphore, #tpu.memory_space<semaphore_mem>>)
    %scan3A = arith.constant 0 : i32
    %scan3A_14 = arith.constant 0 : i32
    %scan3A_15 = arith.constant 10 : i32
    %scan3A_16 = arith.addi %scan3A_14, %scan3A_15 : i32
    %scan3A_17 = arith.constant 1 : i32
    %scan3A_18 = scf.for %scan3A_28 = %scan3A_14 to %scan3A_16 step %scan3A_17 iter_args(%scan3A_29 = %scan3A) -> (i32)  : i32 {
      %mul3A_30 = arith.constant 2 : i32
      %mul3A_31 = arith.muli %mul3A_30, %scan3A_28 : i32
      %add3A_32 = arith.constant 0 : i32
      %add3A_33 = arith.addi %mul3A_31, %add3A_32 : i32
      %mul3A_34 = arith.constant 10000 : i32
      %mul3A_35 = arith.muli %add3A_33, %mul3A_34 : i32
      %add3A_36 = arith.addi %mul3A_8, %mul3A_35 : i32
      %dma_wait3A_37 = tpu.memref_slice %arg2[%add3A_36] : memref<12800000xi32, #tpu.memory_space<hbm>> -> memref<10000xi32, #tpu.memory_space<hbm>>
      %dma_wait3A_38 = tpu.memref_slice %arg2[%add3A_36] : memref<12800000xi32, #tpu.memory_space<hbm>> -> memref<10000xi32, #tpu.memory_space<hbm>>
      tpu.wait_dma2 semaphore(%arg18 : memref<!tpu.dma_semaphore, #tpu.memory_space<semaphore_mem>>) src(%dma_wait3A_38 : memref<10000xi32, #tpu.memory_space<hbm>>) dst(%arg10 : memref<10000xi32, #tpu.memory_space<vmem>>)
      %add3A_39 = arith.constant 6400000 : i32
      %add3A_40 = arith.addi %add3A_39, %add3A_36 : i32
      %dma_wait3A_41 = tpu.memref_slice %arg2[%add3A_40] : memref<12800000xi32, #tpu.memory_space<hbm>> -> memref<10000xi32, #tpu.memory_space<hbm>>
      %dma_wait3A_42 = tpu.memref_slice %arg2[%add3A_40] : memref<12800000xi32, #tpu.memory_space<hbm>> -> memref<10000xi32, #tpu.memory_space<hbm>>
      tpu.wait_dma2 semaphore(%arg18 : memref<!tpu.dma_semaphore, #tpu.memory_space<semaphore_mem>>) src(%dma_wait3A_42 : memref<10000xi32, #tpu.memory_space<hbm>>) dst(%arg11 : memref<10000xi32, #tpu.memory_space<vmem>>)
      %dma_start3A_43 = arith.constant 0 : i32
      %dma_start3A_44 = tpu.memref_slice %arg6[%dma_start3A_43] : memref<102400xf32, #tpu.memory_space<vmem_shared>> -> memref<102400xf32, #tpu.memory_space<vmem_shared>>
      tpu.enqueue_indirect_dma source(%dma_start3A_44 : memref<102400xf32, #tpu.memory_space<vmem_shared>>) target(%arg12 : memref<10000xf32, #tpu.memory_space<vmem>>) offsets(%arg10 : memref<10000xi32, #tpu.memory_space<vmem>>) semaphore(%arg20 : memref<!tpu.dma_semaphore, #tpu.memory_space<semaphore_mem>>)
      %dma_start3A_45 = arith.constant 0 : i32
      %dma_start3A_46 = tpu.memref_slice %arg7[%dma_start3A_45] : memref<102400xf32, #tpu.memory_space<vmem_shared>> -> memref<102400xf32, #tpu.memory_space<vmem_shared>>
      tpu.enqueue_indirect_dma source(%dma_start3A_46 : memref<102400xf32, #tpu.memory_space<vmem_shared>>) target(%arg13 : memref<10000xf32, #tpu.memory_space<vmem>>) offsets(%arg10 : memref<10000xi32, #tpu.memory_space<vmem>>) semaphore(%arg20 : memref<!tpu.dma_semaphore, #tpu.memory_space<semaphore_mem>>)
      %gt3A = arith.constant 0 : i32
      %gt3A_47 = arith.cmpi sgt, %scan3A_28, %gt3A : i32
      %convert_element_type3A = arith.extui %gt3A_47 : i1 to i32
      %cond3A = arith.constant 0 : i32
      %cond3A_48 = arith.cmpi ne, %convert_element_type3A, %cond3A : i32
      scf.if %cond3A_48 {
        %dma_wait3A_102 = arith.constant 0 : i32
        %dma_wait3A_103 = tpu.memref_slice %arg8[%dma_wait3A_102] : memref<102400xf32, #tpu.memory_space<vmem_shared>> -> memref<102400xf32, #tpu.memory_space<vmem_shared>>
        tpu.wait_indirect_dma semaphore(%arg23 : memref<!tpu.dma_semaphore, #tpu.memory_space<semaphore_mem>>) src(%arg16 : memref<10000xf32, #tpu.memory_space<vmem>>) dst(%dma_wait3A_103 : memref<102400xf32, #tpu.memory_space<vmem_shared>>)
        %dma_wait3A_104 = arith.constant 0 : i32
        %dma_wait3A_105 = tpu.memref_slice %arg9[%dma_wait3A_104] : memref<102400xf32, #tpu.memory_space<vmem_shared>> -> memref<102400xf32, #tpu.memory_space<vmem_shared>>
        tpu.wait_indirect_dma semaphore(%arg23 : memref<!tpu.dma_semaphore, #tpu.memory_space<semaphore_mem>>) src(%arg17 : memref<10000xf32, #tpu.memory_space<vmem>>) dst(%dma_wait3A_105 : memref<102400xf32, #tpu.memory_space<vmem_shared>>)
      } else {
      }
      %add3A_49 = arith.constant 1 : i32
      %add3A_50 = arith.addi %add3A_33, %add3A_49 : i32
      %mul3A_51 = arith.constant 10000 : i32
      %mul3A_52 = arith.muli %add3A_50, %mul3A_51 : i32
      %add3A_53 = arith.addi %mul3A_8, %mul3A_52 : i32
      %dma_start3A_54 = tpu.memref_slice %arg2[%add3A_53] : memref<12800000xi32, #tpu.memory_space<hbm>> -> memref<10000xi32, #tpu.memory_space<hbm>>
      %dma_start3A_55 = tpu.memref_slice %arg2[%add3A_53] : memref<12800000xi32, #tpu.memory_space<hbm>> -> memref<10000xi32, #tpu.memory_space<hbm>>
      tpu.enqueue_dma source(%dma_start3A_55 : memref<10000xi32, #tpu.memory_space<hbm>>) target(%arg14 : memref<10000xi32, #tpu.memory_space<vmem>>) target_semaphore(%arg19 : memref<!tpu.dma_semaphore, #tpu.memory_space<semaphore_mem>>)
      %add3A_56 = arith.constant 6400000 : i32
      %add3A_57 = arith.addi %add3A_56, %add3A_53 : i32
      %dma_start3A_58 = tpu.memref_slice %arg2[%add3A_57] : memref<12800000xi32, #tpu.memory_space<hbm>> -> memref<10000xi32, #tpu.memory_space<hbm>>
      %dma_start3A_59 = tpu.memref_slice %arg2[%add3A_57] : memref<12800000xi32, #tpu.memory_space<hbm>> -> memref<10000xi32, #tpu.memory_space<hbm>>
      tpu.enqueue_dma source(%dma_start3A_59 : memref<10000xi32, #tpu.memory_space<hbm>>) target(%arg15 : memref<10000xi32, #tpu.memory_space<vmem>>) target_semaphore(%arg19 : memref<!tpu.dma_semaphore, #tpu.memory_space<semaphore_mem>>)
      %dma_wait3A_60 = arith.constant 0 : i32
      %dma_wait3A_61 = tpu.memref_slice %arg6[%dma_wait3A_60] : memref<102400xf32, #tpu.memory_space<vmem_shared>> -> memref<102400xf32, #tpu.memory_space<vmem_shared>>
      tpu.wait_indirect_dma semaphore(%arg20 : memref<!tpu.dma_semaphore, #tpu.memory_space<semaphore_mem>>) src(%dma_wait3A_61 : memref<102400xf32, #tpu.memory_space<vmem_shared>>) dst(%arg12 : memref<10000xf32, #tpu.memory_space<vmem>>)
      %dma_wait3A_62 = arith.constant 0 : i32
      %dma_wait3A_63 = tpu.memref_slice %arg7[%dma_wait3A_62] : memref<102400xf32, #tpu.memory_space<vmem_shared>> -> memref<102400xf32, #tpu.memory_space<vmem_shared>>
      tpu.wait_indirect_dma semaphore(%arg20 : memref<!tpu.dma_semaphore, #tpu.memory_space<semaphore_mem>>) src(%dma_wait3A_63 : memref<102400xf32, #tpu.memory_space<vmem_shared>>) dst(%arg13 : memref<10000xf32, #tpu.memory_space<vmem>>)
      %dma_start3A_64 = arith.constant 0 : i32
      %dma_start3A_65 = tpu.memref_slice %arg8[%dma_start3A_64] : memref<102400xf32, #tpu.memory_space<vmem_shared>> -> memref<102400xf32, #tpu.memory_space<vmem_shared>>
      tpu.enqueue_indirect_dma source(%arg12 : memref<10000xf32, #tpu.memory_space<vmem>>) target(%dma_start3A_65 : memref<102400xf32, #tpu.memory_space<vmem_shared>>) offsets(%arg11 : memref<10000xi32, #tpu.memory_space<vmem>>) semaphore(%arg22 : memref<!tpu.dma_semaphore, #tpu.memory_space<semaphore_mem>>) {add = true}
      %dma_start3A_66 = arith.constant 0 : i32
      %dma_start3A_67 = tpu.memref_slice %arg9[%dma_start3A_66] : memref<102400xf32, #tpu.memory_space<vmem_shared>> -> memref<102400xf32, #tpu.memory_space<vmem_shared>>
      tpu.enqueue_indirect_dma source(%arg13 : memref<10000xf32, #tpu.memory_space<vmem>>) target(%dma_start3A_67 : memref<102400xf32, #tpu.memory_space<vmem_shared>>) offsets(%arg11 : memref<10000xi32, #tpu.memory_space<vmem>>) semaphore(%arg22 : memref<!tpu.dma_semaphore, #tpu.memory_space<semaphore_mem>>) {add = true}
      %mul3A_68 = arith.constant 2 : i32
      %mul3A_69 = arith.muli %mul3A_68, %scan3A_28 : i32
      %add3A_70 = arith.constant 1 : i32
      %add3A_71 = arith.addi %mul3A_69, %add3A_70 : i32
      %mul3A_72 = arith.constant 10000 : i32
      %mul3A_73 = arith.muli %add3A_71, %mul3A_72 : i32
      %add3A_74 = arith.addi %mul3A_8, %mul3A_73 : i32
      %dma_wait3A_75 = tpu.memref_slice %arg2[%add3A_74] : memref<12800000xi32, #tpu.memory_space<hbm>> -> memref<10000xi32, #tpu.memory_space<hbm>>
      %dma_wait3A_76 = tpu.memref_slice %arg2[%add3A_74] : memref<12800000xi32, #tpu.memory_space<hbm>> -> memref<10000xi32, #tpu.memory_space<hbm>>
      tpu.wait_dma2 semaphore(%arg19 : memref<!tpu.dma_semaphore, #tpu.memory_space<semaphore_mem>>) src(%dma_wait3A_76 : memref<10000xi32, #tpu.memory_space<hbm>>) dst(%arg14 : memref<10000xi32, #tpu.memory_space<vmem>>)
      %add3A_77 = arith.constant 6400000 : i32
      %add3A_78 = arith.addi %add3A_77, %add3A_74 : i32
      %dma_wait3A_79 = tpu.memref_slice %arg2[%add3A_78] : memref<12800000xi32, #tpu.memory_space<hbm>> -> memref<10000xi32, #tpu.memory_space<hbm>>
      %dma_wait3A_80 = tpu.memref_slice %arg2[%add3A_78] : memref<12800000xi32, #tpu.memory_space<hbm>> -> memref<10000xi32, #tpu.memory_space<hbm>>
      tpu.wait_dma2 semaphore(%arg19 : memref<!tpu.dma_semaphore, #tpu.memory_space<semaphore_mem>>) src(%dma_wait3A_80 : memref<10000xi32, #tpu.memory_space<hbm>>) dst(%arg15 : memref<10000xi32, #tpu.memory_space<vmem>>)
      %dma_start3A_81 = arith.constant 0 : i32
      %dma_start3A_82 = tpu.memref_slice %arg6[%dma_start3A_81] : memref<102400xf32, #tpu.memory_space<vmem_shared>> -> memref<102400xf32, #tpu.memory_space<vmem_shared>>
      tpu.enqueue_indirect_dma source(%dma_start3A_82 : memref<102400xf32, #tpu.memory_space<vmem_shared>>) target(%arg16 : memref<10000xf32, #tpu.memory_space<vmem>>) offsets(%arg14 : memref<10000xi32, #tpu.memory_space<vmem>>) semaphore(%arg21 : memref<!tpu.dma_semaphore, #tpu.memory_space<semaphore_mem>>)
      %dma_start3A_83 = arith.constant 0 : i32
      %dma_start3A_84 = tpu.memref_slice %arg7[%dma_start3A_83] : memref<102400xf32, #tpu.memory_space<vmem_shared>> -> memref<102400xf32, #tpu.memory_space<vmem_shared>>
      tpu.enqueue_indirect_dma source(%dma_start3A_84 : memref<102400xf32, #tpu.memory_space<vmem_shared>>) target(%arg17 : memref<10000xf32, #tpu.memory_space<vmem>>) offsets(%arg14 : memref<10000xi32, #tpu.memory_space<vmem>>) semaphore(%arg21 : memref<!tpu.dma_semaphore, #tpu.memory_space<semaphore_mem>>)
      %dma_wait3A_85 = arith.constant 0 : i32
      %dma_wait3A_86 = tpu.memref_slice %arg8[%dma_wait3A_85] : memref<102400xf32, #tpu.memory_space<vmem_shared>> -> memref<102400xf32, #tpu.memory_space<vmem_shared>>
      tpu.wait_indirect_dma semaphore(%arg22 : memref<!tpu.dma_semaphore, #tpu.memory_space<semaphore_mem>>) src(%arg12 : memref<10000xf32, #tpu.memory_space<vmem>>) dst(%dma_wait3A_86 : memref<102400xf32, #tpu.memory_space<vmem_shared>>)
      %dma_wait3A_87 = arith.constant 0 : i32
      %dma_wait3A_88 = tpu.memref_slice %arg9[%dma_wait3A_87] : memref<102400xf32, #tpu.memory_space<vmem_shared>> -> memref<102400xf32, #tpu.memory_space<vmem_shared>>
      tpu.wait_indirect_dma semaphore(%arg22 : memref<!tpu.dma_semaphore, #tpu.memory_space<semaphore_mem>>) src(%arg13 : memref<10000xf32, #tpu.memory_space<vmem>>) dst(%dma_wait3A_88 : memref<102400xf32, #tpu.memory_space<vmem_shared>>)
      %lt3A = arith.constant 9 : i32
      %lt3A_89 = arith.cmpi slt, %scan3A_28, %lt3A : i32
      %convert_element_type3A_90 = arith.extui %lt3A_89 : i1 to i32
      %cond3A_91 = arith.constant 0 : i32
      %cond3A_92 = arith.cmpi ne, %convert_element_type3A_90, %cond3A_91 : i32
      scf.if %cond3A_92 {
        %add3A_102 = arith.constant 1 : i32
        %add3A_103 = arith.addi %add3A_71, %add3A_102 : i32
        %mul3A_104 = arith.constant 10000 : i32
        %mul3A_105 = arith.muli %add3A_103, %mul3A_104 : i32
        %add3A_106 = arith.addi %mul3A_8, %mul3A_105 : i32
        %dma_start3A_107 = tpu.memref_slice %arg2[%add3A_106] : memref<12800000xi32, #tpu.memory_space<hbm>> -> memref<10000xi32, #tpu.memory_space<hbm>>
        %dma_start3A_108 = tpu.memref_slice %arg2[%add3A_106] : memref<12800000xi32, #tpu.memory_space<hbm>> -> memref<10000xi32, #tpu.memory_space<hbm>>
        tpu.enqueue_dma source(%dma_start3A_108 : memref<10000xi32, #tpu.memory_space<hbm>>) target(%arg10 : memref<10000xi32, #tpu.memory_space<vmem>>) target_semaphore(%arg18 : memref<!tpu.dma_semaphore, #tpu.memory_space<semaphore_mem>>)
        %add3A_109 = arith.constant 6400000 : i32
        %add3A_110 = arith.addi %add3A_109, %add3A_106 : i32
        %dma_start3A_111 = tpu.memref_slice %arg2[%add3A_110] : memref<12800000xi32, #tpu.memory_space<hbm>> -> memref<10000xi32, #tpu.memory_space<hbm>>
        %dma_start3A_112 = tpu.memref_slice %arg2[%add3A_110] : memref<12800000xi32, #tpu.memory_space<hbm>> -> memref<10000xi32, #tpu.memory_space<hbm>>
        tpu.enqueue_dma source(%dma_start3A_112 : memref<10000xi32, #tpu.memory_space<hbm>>) target(%arg11 : memref<10000xi32, #tpu.memory_space<vmem>>) target_semaphore(%arg18 : memref<!tpu.dma_semaphore, #tpu.memory_space<semaphore_mem>>)
      } else {
      }
      %dma_wait3A_93 = arith.constant 0 : i32
      %dma_wait3A_94 = tpu.memref_slice %arg6[%dma_wait3A_93] : memref<102400xf32, #tpu.memory_space<vmem_shared>> -> memref<102400xf32, #tpu.memory_space<vmem_shared>>
      tpu.wait_indirect_dma semaphore(%arg21 : memref<!tpu.dma_semaphore, #tpu.memory_space<semaphore_mem>>) src(%dma_wait3A_94 : memref<102400xf32, #tpu.memory_space<vmem_shared>>) dst(%arg16 : memref<10000xf32, #tpu.memory_space<vmem>>)
      %dma_wait3A_95 = arith.constant 0 : i32
      %dma_wait3A_96 = tpu.memref_slice %arg7[%dma_wait3A_95] : memref<102400xf32, #tpu.memory_space<vmem_shared>> -> memref<102400xf32, #tpu.memory_space<vmem_shared>>
      tpu.wait_indirect_dma semaphore(%arg21 : memref<!tpu.dma_semaphore, #tpu.memory_space<semaphore_mem>>) src(%dma_wait3A_96 : memref<102400xf32, #tpu.memory_space<vmem_shared>>) dst(%arg17 : memref<10000xf32, #tpu.memory_space<vmem>>)
      %dma_start3A_97 = arith.constant 0 : i32
      %dma_start3A_98 = tpu.memref_slice %arg8[%dma_start3A_97] : memref<102400xf32, #tpu.memory_space<vmem_shared>> -> memref<102400xf32, #tpu.memory_space<vmem_shared>>
      tpu.enqueue_indirect_dma source(%arg16 : memref<10000xf32, #tpu.memory_space<vmem>>) target(%dma_start3A_98 : memref<102400xf32, #tpu.memory_space<vmem_shared>>) offsets(%arg15 : memref<10000xi32, #tpu.memory_space<vmem>>) semaphore(%arg23 : memref<!tpu.dma_semaphore, #tpu.memory_space<semaphore_mem>>) {add = true}
      %dma_start3A_99 = arith.constant 0 : i32
      %dma_start3A_100 = tpu.memref_slice %arg9[%dma_start3A_99] : memref<102400xf32, #tpu.memory_space<vmem_shared>> -> memref<102400xf32, #tpu.memory_space<vmem_shared>>
      tpu.enqueue_indirect_dma source(%arg17 : memref<10000xf32, #tpu.memory_space<vmem>>) target(%dma_start3A_100 : memref<102400xf32, #tpu.memory_space<vmem_shared>>) offsets(%arg15 : memref<10000xi32, #tpu.memory_space<vmem>>) semaphore(%arg23 : memref<!tpu.dma_semaphore, #tpu.memory_space<semaphore_mem>>) {add = true}
      %scan3A_101 = arith.constant 0 : i32
      scf.yield %scan3A_101 : i32
    }
    %scan3A_19 = arith.constant 10 : i32
    %dma_wait3A = arith.constant 0 : i32
    %dma_wait3A_20 = tpu.memref_slice %arg8[%dma_wait3A] : memref<102400xf32, #tpu.memory_space<vmem_shared>> -> memref<102400xf32, #tpu.memory_space<vmem_shared>>
    tpu.wait_indirect_dma semaphore(%arg23 : memref<!tpu.dma_semaphore, #tpu.memory_space<semaphore_mem>>) src(%arg16 : memref<10000xf32, #tpu.memory_space<vmem>>) dst(%dma_wait3A_20 : memref<102400xf32, #tpu.memory_space<vmem_shared>>)
    %dma_wait3A_21 = arith.constant 0 : i32
    %dma_wait3A_22 = tpu.memref_slice %arg9[%dma_wait3A_21] : memref<102400xf32, #tpu.memory_space<vmem_shared>> -> memref<102400xf32, #tpu.memory_space<vmem_shared>>
    tpu.wait_indirect_dma semaphore(%arg23 : memref<!tpu.dma_semaphore, #tpu.memory_space<semaphore_mem>>) src(%arg17 : memref<10000xf32, #tpu.memory_space<vmem>>) dst(%dma_wait3A_22 : memref<102400xf32, #tpu.memory_space<vmem_shared>>)
    %barrier3A_23 = arith.constant 0 : index
    tpu.barrier barrier_id(%barrier3A_23)
    "tpu.region"() ({
      %run_scoped3A = tpu.sem_alloc : memref<!tpu.dma_semaphore, #tpu.memory_space<semaphore_mem>>
      %dma_start3A_28 = tpu.memref_slice %arg5[%arg0, %mul3A_2] : memref<2x204800xf32, #tpu.memory_space<hbm>> -> memref<1x6400xf32, #tpu.memory_space<hbm>>
      %dma_start3A_29 = tpu.memref_squeeze %dma_start3A_28 : memref<1x6400xf32, #tpu.memory_space<hbm>> -> memref<6400xf32, #tpu.memory_space<hbm>>
      %dma_start3A_30 = tpu.memref_slice %arg8[%mul3A_2] : memref<102400xf32, #tpu.memory_space<vmem_shared>> -> memref<6400xf32, #tpu.memory_space<vmem_shared>>
      tpu.enqueue_dma source(%dma_start3A_30 : memref<6400xf32, #tpu.memory_space<vmem_shared>>) target(%dma_start3A_29 : memref<6400xf32, #tpu.memory_space<hbm>>) target_semaphore(%run_scoped3A : memref<!tpu.dma_semaphore, #tpu.memory_space<semaphore_mem>>)
      %dma_wait3A_31 = tpu.memref_slice %arg5[%arg0, %mul3A_2] : memref<2x204800xf32, #tpu.memory_space<hbm>> -> memref<1x6400xf32, #tpu.memory_space<hbm>>
      %dma_wait3A_32 = tpu.memref_squeeze %dma_wait3A_31 : memref<1x6400xf32, #tpu.memory_space<hbm>> -> memref<6400xf32, #tpu.memory_space<hbm>>
      %dma_wait3A_33 = tpu.memref_slice %arg8[%mul3A_2] : memref<102400xf32, #tpu.memory_space<vmem_shared>> -> memref<6400xf32, #tpu.memory_space<vmem_shared>>
      tpu.wait_dma2 semaphore(%run_scoped3A : memref<!tpu.dma_semaphore, #tpu.memory_space<semaphore_mem>>) src(%dma_wait3A_33 : memref<6400xf32, #tpu.memory_space<vmem_shared>>) dst(%dma_wait3A_32 : memref<6400xf32, #tpu.memory_space<hbm>>)
      tpu.yield
    }) : () -> ()
    %mul3A_24 = arith.constant 6400 : i32
    %mul3A_25 = arith.muli %arg1, %mul3A_24 : i32
    %add3A_26 = arith.constant 102400 : i32
    %add3A_27 = arith.addi %add3A_26, %mul3A_25 : i32
    "tpu.region"() ({
      %run_scoped3A = tpu.sem_alloc : memref<!tpu.dma_semaphore, #tpu.memory_space<semaphore_mem>>
      %dma_start3A_28 = tpu.memref_slice %arg5[%arg0, %add3A_27] : memref<2x204800xf32, #tpu.memory_space<hbm>> -> memref<1x6400xf32, #tpu.memory_space<hbm>>
      %dma_start3A_29 = tpu.memref_squeeze %dma_start3A_28 : memref<1x6400xf32, #tpu.memory_space<hbm>> -> memref<6400xf32, #tpu.memory_space<hbm>>
      %dma_start3A_30 = tpu.memref_slice %arg9[%mul3A_2] : memref<102400xf32, #tpu.memory_space<vmem_shared>> -> memref<6400xf32, #tpu.memory_space<vmem_shared>>
      tpu.enqueue_dma source(%dma_start3A_30 : memref<6400xf32, #tpu.memory_space<vmem_shared>>) target(%dma_start3A_29 : memref<6400xf32, #tpu.memory_space<hbm>>) target_semaphore(%run_scoped3A : memref<!tpu.dma_semaphore, #tpu.memory_space<semaphore_mem>>)
      %dma_wait3A_31 = tpu.memref_slice %arg5[%arg0, %add3A_27] : memref<2x204800xf32, #tpu.memory_space<hbm>> -> memref<1x6400xf32, #tpu.memory_space<hbm>>
      %dma_wait3A_32 = tpu.memref_squeeze %dma_wait3A_31 : memref<1x6400xf32, #tpu.memory_space<hbm>> -> memref<6400xf32, #tpu.memory_space<hbm>>
      %dma_wait3A_33 = tpu.memref_slice %arg9[%mul3A_2] : memref<102400xf32, #tpu.memory_space<vmem_shared>> -> memref<6400xf32, #tpu.memory_space<vmem_shared>>
      tpu.wait_dma2 semaphore(%run_scoped3A : memref<!tpu.dma_semaphore, #tpu.memory_space<semaphore_mem>>) src(%dma_wait3A_33 : memref<6400xf32, #tpu.memory_space<vmem_shared>>) dst(%dma_wait3A_32 : memref<6400xf32, #tpu.memory_space<hbm>>)
      tpu.yield
    }) : () -> ()
    return
  }
}

#map = affine_map<(d0, d1) -> (0)>
#map1 = affine_map<(d0, d1) -> (0, 0)>
module attributes {stable_mosaic.version = 14 : i64} {
  func.func @_hist_body(%arg0: i32, %arg1: i32, %arg2: memref<12800000xi32, #tpu.memory_space<hbm>>, %arg3: memref<102400xf32, #tpu.memory_space<hbm>>, %arg4: memref<25000xf32, #tpu.memory_space<hbm>>, %arg5: memref<2x102400xf32, #tpu.memory_space<hbm>>, %arg6: memref<102400xf32, #tpu.memory_space<vmem_shared>>, %arg7: memref<25000xi32, #tpu.memory_space<vmem>>, %arg8: memref<25000xi32, #tpu.memory_space<vmem>>, %arg9: memref<25000xf32, #tpu.memory_space<vmem>>, %arg10: memref<!tpu.dma_semaphore, #tpu.memory_space<semaphore_mem>>, %arg11: memref<!tpu.dma_semaphore, #tpu.memory_space<semaphore_mem>>, %arg12: memref<!tpu.dma_semaphore, #tpu.memory_space<semaphore_mem>>, %arg13: memref<!tpu.dma_semaphore, #tpu.memory_space<semaphore_mem>>) attributes {dimension_semantics = [#tpu.dimension_semantics<core_parallel>, #tpu.dimension_semantics<subcore_parallel>], iteration_bounds = array<i64: 2, 16>, scalar_prefetch = 0 : i64, scratch_operands = 8 : i64, tpu.core_type = #tpu.core_type<sc_vector_subcore>, window_params = [{transform_indices = #map}, {transform_indices = #map}, {transform_indices = #map}, {transform_indices = #map1}]} {
    %mul3A = arith.constant 16 : i32
    %mul3A_0 = arith.muli %arg0, %mul3A : i32
    %add3A = arith.addi %mul3A_0, %arg1 : i32
    %mul3A_1 = arith.constant 6400 : i32
    %mul3A_2 = arith.muli %arg1, %mul3A_1 : i32
    "tpu.region"() ({
      %run_scoped3A = tpu.sem_alloc : memref<!tpu.dma_semaphore, #tpu.memory_space<semaphore_mem>>
      %dma_start3A_16 = tpu.memref_slice %arg6[%mul3A_2] : memref<102400xf32, #tpu.memory_space<vmem_shared>> -> memref<6400xf32, #tpu.memory_space<vmem_shared>>
      %dma_start3A_17 = tpu.memref_slice %arg3[%mul3A_2] : memref<102400xf32, #tpu.memory_space<hbm>> -> memref<6400xf32, #tpu.memory_space<hbm>>
      tpu.enqueue_dma source(%dma_start3A_17 : memref<6400xf32, #tpu.memory_space<hbm>>) target(%dma_start3A_16 : memref<6400xf32, #tpu.memory_space<vmem_shared>>) target_semaphore(%run_scoped3A : memref<!tpu.dma_semaphore, #tpu.memory_space<semaphore_mem>>)
      %dma_wait3A_18 = tpu.memref_slice %arg6[%mul3A_2] : memref<102400xf32, #tpu.memory_space<vmem_shared>> -> memref<6400xf32, #tpu.memory_space<vmem_shared>>
      %dma_wait3A_19 = tpu.memref_slice %arg3[%mul3A_2] : memref<102400xf32, #tpu.memory_space<hbm>> -> memref<6400xf32, #tpu.memory_space<hbm>>
      tpu.wait_dma2 semaphore(%run_scoped3A : memref<!tpu.dma_semaphore, #tpu.memory_space<semaphore_mem>>) src(%dma_wait3A_19 : memref<6400xf32, #tpu.memory_space<hbm>>) dst(%dma_wait3A_18 : memref<6400xf32, #tpu.memory_space<vmem_shared>>)
      tpu.yield
    }) : () -> ()
    "tpu.region"() ({
      %run_scoped3A = tpu.sem_alloc : memref<!tpu.dma_semaphore, #tpu.memory_space<semaphore_mem>>
      tpu.enqueue_dma source(%arg4 : memref<25000xf32, #tpu.memory_space<hbm>>) target(%arg9 : memref<25000xf32, #tpu.memory_space<vmem>>) target_semaphore(%run_scoped3A : memref<!tpu.dma_semaphore, #tpu.memory_space<semaphore_mem>>)
      tpu.wait_dma2 semaphore(%run_scoped3A : memref<!tpu.dma_semaphore, #tpu.memory_space<semaphore_mem>>) src(%arg4 : memref<25000xf32, #tpu.memory_space<hbm>>) dst(%arg9 : memref<25000xf32, #tpu.memory_space<vmem>>)
      tpu.yield
    }) : () -> ()
    %barrier3A = arith.constant 0 : index
    tpu.barrier barrier_id(%barrier3A)
    %mul3A_3 = arith.constant 200000 : i32
    %mul3A_4 = arith.muli %add3A, %mul3A_3 : i32
    %add3A_5 = arith.constant 6400000 : i32
    %add3A_6 = arith.addi %add3A_5, %mul3A_4 : i32
    %dma_start3A = tpu.memref_slice %arg2[%add3A_6] : memref<12800000xi32, #tpu.memory_space<hbm>> -> memref<25000xi32, #tpu.memory_space<hbm>>
    %dma_start3A_7 = tpu.memref_slice %arg2[%add3A_6] : memref<12800000xi32, #tpu.memory_space<hbm>> -> memref<25000xi32, #tpu.memory_space<hbm>>
    tpu.enqueue_dma source(%dma_start3A_7 : memref<25000xi32, #tpu.memory_space<hbm>>) target(%arg7 : memref<25000xi32, #tpu.memory_space<vmem>>) target_semaphore(%arg10 : memref<!tpu.dma_semaphore, #tpu.memory_space<semaphore_mem>>)
    %scan3A = arith.constant 0 : i32
    %scan3A_8 = arith.constant 0 : i32
    %scan3A_9 = arith.constant 4 : i32
    %scan3A_10 = arith.addi %scan3A_8, %scan3A_9 : i32
    %scan3A_11 = arith.constant 1 : i32
    %scan3A_12 = scf.for %scan3A_16 = %scan3A_8 to %scan3A_10 step %scan3A_11 iter_args(%scan3A_17 = %scan3A) -> (i32)  : i32 {
      %mul3A_18 = arith.constant 2 : i32
      %mul3A_19 = arith.muli %mul3A_18, %scan3A_16 : i32
      %add3A_20 = arith.constant 0 : i32
      %add3A_21 = arith.addi %mul3A_19, %add3A_20 : i32
      %add3A_22 = arith.constant 6400000 : i32
      %add3A_23 = arith.addi %add3A_22, %mul3A_4 : i32
      %mul3A_24 = arith.constant 25000 : i32
      %mul3A_25 = arith.muli %add3A_21, %mul3A_24 : i32
      %add3A_26 = arith.addi %add3A_23, %mul3A_25 : i32
      %dma_wait3A_27 = tpu.memref_slice %arg2[%add3A_26] : memref<12800000xi32, #tpu.memory_space<hbm>> -> memref<25000xi32, #tpu.memory_space<hbm>>
      %dma_wait3A_28 = tpu.memref_slice %arg2[%add3A_26] : memref<12800000xi32, #tpu.memory_space<hbm>> -> memref<25000xi32, #tpu.memory_space<hbm>>
      tpu.wait_dma2 semaphore(%arg10 : memref<!tpu.dma_semaphore, #tpu.memory_space<semaphore_mem>>) src(%dma_wait3A_28 : memref<25000xi32, #tpu.memory_space<hbm>>) dst(%arg7 : memref<25000xi32, #tpu.memory_space<vmem>>)
      %gt3A = arith.constant 0 : i32
      %gt3A_29 = arith.cmpi sgt, %scan3A_16, %gt3A : i32
      %convert_element_type3A = arith.extui %gt3A_29 : i1 to i32
      %cond3A = arith.constant 0 : i32
      %cond3A_30 = arith.cmpi ne, %convert_element_type3A, %cond3A : i32
      scf.if %cond3A_30 {
        %dma_wait3A_62 = arith.constant 0 : i32
        %dma_wait3A_63 = tpu.memref_slice %arg6[%dma_wait3A_62] : memref<102400xf32, #tpu.memory_space<vmem_shared>> -> memref<102400xf32, #tpu.memory_space<vmem_shared>>
        tpu.wait_indirect_dma semaphore(%arg13 : memref<!tpu.dma_semaphore, #tpu.memory_space<semaphore_mem>>) src(%arg9 : memref<25000xf32, #tpu.memory_space<vmem>>) dst(%dma_wait3A_63 : memref<102400xf32, #tpu.memory_space<vmem_shared>>)
      } else {
      }
      %add3A_31 = arith.constant 6400000 : i32
      %add3A_32 = arith.addi %add3A_31, %mul3A_4 : i32
      %add3A_33 = arith.constant 1 : i32
      %add3A_34 = arith.addi %add3A_21, %add3A_33 : i32
      %mul3A_35 = arith.constant 25000 : i32
      %mul3A_36 = arith.muli %add3A_34, %mul3A_35 : i32
      %add3A_37 = arith.addi %add3A_32, %mul3A_36 : i32
      %dma_start3A_38 = tpu.memref_slice %arg2[%add3A_37] : memref<12800000xi32, #tpu.memory_space<hbm>> -> memref<25000xi32, #tpu.memory_space<hbm>>
      %dma_start3A_39 = tpu.memref_slice %arg2[%add3A_37] : memref<12800000xi32, #tpu.memory_space<hbm>> -> memref<25000xi32, #tpu.memory_space<hbm>>
      tpu.enqueue_dma source(%dma_start3A_39 : memref<25000xi32, #tpu.memory_space<hbm>>) target(%arg8 : memref<25000xi32, #tpu.memory_space<vmem>>) target_semaphore(%arg11 : memref<!tpu.dma_semaphore, #tpu.memory_space<semaphore_mem>>)
      %dma_start3A_40 = arith.constant 0 : i32
      %dma_start3A_41 = tpu.memref_slice %arg6[%dma_start3A_40] : memref<102400xf32, #tpu.memory_space<vmem_shared>> -> memref<102400xf32, #tpu.memory_space<vmem_shared>>
      tpu.enqueue_indirect_dma source(%arg9 : memref<25000xf32, #tpu.memory_space<vmem>>) target(%dma_start3A_41 : memref<102400xf32, #tpu.memory_space<vmem_shared>>) offsets(%arg7 : memref<25000xi32, #tpu.memory_space<vmem>>) semaphore(%arg12 : memref<!tpu.dma_semaphore, #tpu.memory_space<semaphore_mem>>) {add = true}
      %mul3A_42 = arith.constant 2 : i32
      %mul3A_43 = arith.muli %mul3A_42, %scan3A_16 : i32
      %add3A_44 = arith.constant 1 : i32
      %add3A_45 = arith.addi %mul3A_43, %add3A_44 : i32
      %add3A_46 = arith.constant 6400000 : i32
      %add3A_47 = arith.addi %add3A_46, %mul3A_4 : i32
      %mul3A_48 = arith.constant 25000 : i32
      %mul3A_49 = arith.muli %add3A_45, %mul3A_48 : i32
      %add3A_50 = arith.addi %add3A_47, %mul3A_49 : i32
      %dma_wait3A_51 = tpu.memref_slice %arg2[%add3A_50] : memref<12800000xi32, #tpu.memory_space<hbm>> -> memref<25000xi32, #tpu.memory_space<hbm>>
      %dma_wait3A_52 = tpu.memref_slice %arg2[%add3A_50] : memref<12800000xi32, #tpu.memory_space<hbm>> -> memref<25000xi32, #tpu.memory_space<hbm>>
      tpu.wait_dma2 semaphore(%arg11 : memref<!tpu.dma_semaphore, #tpu.memory_space<semaphore_mem>>) src(%dma_wait3A_52 : memref<25000xi32, #tpu.memory_space<hbm>>) dst(%arg8 : memref<25000xi32, #tpu.memory_space<vmem>>)
      %dma_wait3A_53 = arith.constant 0 : i32
      %dma_wait3A_54 = tpu.memref_slice %arg6[%dma_wait3A_53] : memref<102400xf32, #tpu.memory_space<vmem_shared>> -> memref<102400xf32, #tpu.memory_space<vmem_shared>>
      tpu.wait_indirect_dma semaphore(%arg12 : memref<!tpu.dma_semaphore, #tpu.memory_space<semaphore_mem>>) src(%arg9 : memref<25000xf32, #tpu.memory_space<vmem>>) dst(%dma_wait3A_54 : memref<102400xf32, #tpu.memory_space<vmem_shared>>)
      %lt3A = arith.constant 3 : i32
      %lt3A_55 = arith.cmpi slt, %scan3A_16, %lt3A : i32
      %convert_element_type3A_56 = arith.extui %lt3A_55 : i1 to i32
      %cond3A_57 = arith.constant 0 : i32
      %cond3A_58 = arith.cmpi ne, %convert_element_type3A_56, %cond3A_57 : i32
      scf.if %cond3A_58 {
        %add3A_62 = arith.constant 6400000 : i32
        %add3A_63 = arith.addi %add3A_62, %mul3A_4 : i32
        %add3A_64 = arith.constant 1 : i32
        %add3A_65 = arith.addi %add3A_45, %add3A_64 : i32
        %mul3A_66 = arith.constant 25000 : i32
        %mul3A_67 = arith.muli %add3A_65, %mul3A_66 : i32
        %add3A_68 = arith.addi %add3A_63, %mul3A_67 : i32
        %dma_start3A_69 = tpu.memref_slice %arg2[%add3A_68] : memref<12800000xi32, #tpu.memory_space<hbm>> -> memref<25000xi32, #tpu.memory_space<hbm>>
        %dma_start3A_70 = tpu.memref_slice %arg2[%add3A_68] : memref<12800000xi32, #tpu.memory_space<hbm>> -> memref<25000xi32, #tpu.memory_space<hbm>>
        tpu.enqueue_dma source(%dma_start3A_70 : memref<25000xi32, #tpu.memory_space<hbm>>) target(%arg7 : memref<25000xi32, #tpu.memory_space<vmem>>) target_semaphore(%arg10 : memref<!tpu.dma_semaphore, #tpu.memory_space<semaphore_mem>>)
      } else {
      }
      %dma_start3A_59 = arith.constant 0 : i32
      %dma_start3A_60 = tpu.memref_slice %arg6[%dma_start3A_59] : memref<102400xf32, #tpu.memory_space<vmem_shared>> -> memref<102400xf32, #tpu.memory_space<vmem_shared>>
      tpu.enqueue_indirect_dma source(%arg9 : memref<25000xf32, #tpu.memory_space<vmem>>) target(%dma_start3A_60 : memref<102400xf32, #tpu.memory_space<vmem_shared>>) offsets(%arg8 : memref<25000xi32, #tpu.memory_space<vmem>>) semaphore(%arg13 : memref<!tpu.dma_semaphore, #tpu.memory_space<semaphore_mem>>) {add = true}
      %scan3A_61 = arith.constant 0 : i32
      scf.yield %scan3A_61 : i32
    }
    %scan3A_13 = arith.constant 4 : i32
    %dma_wait3A = arith.constant 0 : i32
    %dma_wait3A_14 = tpu.memref_slice %arg6[%dma_wait3A] : memref<102400xf32, #tpu.memory_space<vmem_shared>> -> memref<102400xf32, #tpu.memory_space<vmem_shared>>
    tpu.wait_indirect_dma semaphore(%arg13 : memref<!tpu.dma_semaphore, #tpu.memory_space<semaphore_mem>>) src(%arg9 : memref<25000xf32, #tpu.memory_space<vmem>>) dst(%dma_wait3A_14 : memref<102400xf32, #tpu.memory_space<vmem_shared>>)
    %barrier3A_15 = arith.constant 0 : index
    tpu.barrier barrier_id(%barrier3A_15)
    "tpu.region"() ({
      %run_scoped3A = tpu.sem_alloc : memref<!tpu.dma_semaphore, #tpu.memory_space<semaphore_mem>>
      %dma_start3A_16 = tpu.memref_slice %arg5[%arg0, %mul3A_2] : memref<2x102400xf32, #tpu.memory_space<hbm>> -> memref<1x6400xf32, #tpu.memory_space<hbm>>
      %dma_start3A_17 = tpu.memref_squeeze %dma_start3A_16 : memref<1x6400xf32, #tpu.memory_space<hbm>> -> memref<6400xf32, #tpu.memory_space<hbm>>
      %dma_start3A_18 = tpu.memref_slice %arg6[%mul3A_2] : memref<102400xf32, #tpu.memory_space<vmem_shared>> -> memref<6400xf32, #tpu.memory_space<vmem_shared>>
      tpu.enqueue_dma source(%dma_start3A_18 : memref<6400xf32, #tpu.memory_space<vmem_shared>>) target(%dma_start3A_17 : memref<6400xf32, #tpu.memory_space<hbm>>) target_semaphore(%run_scoped3A : memref<!tpu.dma_semaphore, #tpu.memory_space<semaphore_mem>>)
      %dma_wait3A_19 = tpu.memref_slice %arg5[%arg0, %mul3A_2] : memref<2x102400xf32, #tpu.memory_space<hbm>> -> memref<1x6400xf32, #tpu.memory_space<hbm>>
      %dma_wait3A_20 = tpu.memref_squeeze %dma_wait3A_19 : memref<1x6400xf32, #tpu.memory_space<hbm>> -> memref<6400xf32, #tpu.memory_space<hbm>>
      %dma_wait3A_21 = tpu.memref_slice %arg6[%mul3A_2] : memref<102400xf32, #tpu.memory_space<vmem_shared>> -> memref<6400xf32, #tpu.memory_space<vmem_shared>>
      tpu.wait_dma2 semaphore(%run_scoped3A : memref<!tpu.dma_semaphore, #tpu.memory_space<semaphore_mem>>) src(%dma_wait3A_21 : memref<6400xf32, #tpu.memory_space<vmem_shared>>) dst(%dma_wait3A_20 : memref<6400xf32, #tpu.memory_space<hbm>>)
      tpu.yield
    }) : () -> ()
    return
  }
}

#map = affine_map<(d0, d1) -> (0)>
#map1 = affine_map<(d0, d1) -> (0, 0)>
module attributes {stable_mosaic.version = 14 : i64} {
  func.func @_agg_body(%arg0: i32, %arg1: i32, %arg2: memref<12800000xi32, #tpu.memory_space<hbm>>, %arg3: memref<204800xf32, #tpu.memory_space<hbm>>, %arg4: memref<102400xf32, #tpu.memory_space<hbm>>, %arg5: memref<2x204800xf32, #tpu.memory_space<hbm>>, %arg6: memref<102400xf32, #tpu.memory_space<vmem_shared>>, %arg7: memref<102400xf32, #tpu.memory_space<vmem_shared>>, %arg8: memref<102400xf32, #tpu.memory_space<vmem_shared>>, %arg9: memref<102400xf32, #tpu.memory_space<vmem_shared>>, %arg10: memref<10000xi32, #tpu.memory_space<vmem>>, %arg11: memref<10000xi32, #tpu.memory_space<vmem>>, %arg12: memref<10000xf32, #tpu.memory_space<vmem>>, %arg13: memref<10000xf32, #tpu.memory_space<vmem>>, %arg14: memref<10000xi32, #tpu.memory_space<vmem>>, %arg15: memref<10000xi32, #tpu.memory_space<vmem>>, %arg16: memref<10000xf32, #tpu.memory_space<vmem>>, %arg17: memref<10000xf32, #tpu.memory_space<vmem>>, %arg18: memref<!tpu.dma_semaphore, #tpu.memory_space<semaphore_mem>>, %arg19: memref<!tpu.dma_semaphore, #tpu.memory_space<semaphore_mem>>, %arg20: memref<!tpu.dma_semaphore, #tpu.memory_space<semaphore_mem>>, %arg21: memref<!tpu.dma_semaphore, #tpu.memory_space<semaphore_mem>>, %arg22: memref<!tpu.dma_semaphore, #tpu.memory_space<semaphore_mem>>, %arg23: memref<!tpu.dma_semaphore, #tpu.memory_space<semaphore_mem>>) attributes {dimension_semantics = [#tpu.dimension_semantics<core_parallel>, #tpu.dimension_semantics<subcore_parallel>], iteration_bounds = array<i64: 2, 16>, scalar_prefetch = 0 : i64, scratch_operands = 18 : i64, tpu.core_type = #tpu.core_type<sc_vector_subcore>, window_params = [{transform_indices = #map}, {transform_indices = #map}, {transform_indices = #map}, {transform_indices = #map1}]} {
    %mul3A = arith.constant 16 : i32
    %mul3A_0 = arith.muli %arg0, %mul3A : i32
    %add3A = arith.addi %mul3A_0, %arg1 : i32
    %mul3A_1 = arith.constant 6400 : i32
    %mul3A_2 = arith.muli %arg1, %mul3A_1 : i32
    "tpu.region"() ({
      %run_scoped3A = tpu.sem_alloc : memref<!tpu.dma_semaphore, #tpu.memory_space<semaphore_mem>>
      %dma_start3A_28 = tpu.memref_slice %arg6[%mul3A_2] : memref<102400xf32, #tpu.memory_space<vmem_shared>> -> memref<6400xf32, #tpu.memory_space<vmem_shared>>
      %dma_start3A_29 = tpu.memref_slice %arg3[%mul3A_2] : memref<204800xf32, #tpu.memory_space<hbm>> -> memref<6400xf32, #tpu.memory_space<hbm>>
      tpu.enqueue_dma source(%dma_start3A_29 : memref<6400xf32, #tpu.memory_space<hbm>>) target(%dma_start3A_28 : memref<6400xf32, #tpu.memory_space<vmem_shared>>) target_semaphore(%run_scoped3A : memref<!tpu.dma_semaphore, #tpu.memory_space<semaphore_mem>>)
      %dma_wait3A_30 = tpu.memref_slice %arg6[%mul3A_2] : memref<102400xf32, #tpu.memory_space<vmem_shared>> -> memref<6400xf32, #tpu.memory_space<vmem_shared>>
      %dma_wait3A_31 = tpu.memref_slice %arg3[%mul3A_2] : memref<204800xf32, #tpu.memory_space<hbm>> -> memref<6400xf32, #tpu.memory_space<hbm>>
      tpu.wait_dma2 semaphore(%run_scoped3A : memref<!tpu.dma_semaphore, #tpu.memory_space<semaphore_mem>>) src(%dma_wait3A_31 : memref<6400xf32, #tpu.memory_space<hbm>>) dst(%dma_wait3A_30 : memref<6400xf32, #tpu.memory_space<vmem_shared>>)
      tpu.yield
    }) : () -> ()
    %mul3A_3 = arith.constant 6400 : i32
    %mul3A_4 = arith.muli %arg1, %mul3A_3 : i32
    %add3A_5 = arith.constant 102400 : i32
    %add3A_6 = arith.addi %add3A_5, %mul3A_4 : i32
    "tpu.region"() ({
      %run_scoped3A = tpu.sem_alloc : memref<!tpu.dma_semaphore, #tpu.memory_space<semaphore_mem>>
      %dma_start3A_28 = tpu.memref_slice %arg7[%mul3A_2] : memref<102400xf32, #tpu.memory_space<vmem_shared>> -> memref<6400xf32, #tpu.memory_space<vmem_shared>>
      %dma_start3A_29 = tpu.memref_slice %arg3[%add3A_6] : memref<204800xf32, #tpu.memory_space<hbm>> -> memref<6400xf32, #tpu.memory_space<hbm>>
      tpu.enqueue_dma source(%dma_start3A_29 : memref<6400xf32, #tpu.memory_space<hbm>>) target(%dma_start3A_28 : memref<6400xf32, #tpu.memory_space<vmem_shared>>) target_semaphore(%run_scoped3A : memref<!tpu.dma_semaphore, #tpu.memory_space<semaphore_mem>>)
      %dma_wait3A_30 = tpu.memref_slice %arg7[%mul3A_2] : memref<102400xf32, #tpu.memory_space<vmem_shared>> -> memref<6400xf32, #tpu.memory_space<vmem_shared>>
      %dma_wait3A_31 = tpu.memref_slice %arg3[%add3A_6] : memref<204800xf32, #tpu.memory_space<hbm>> -> memref<6400xf32, #tpu.memory_space<hbm>>
      tpu.wait_dma2 semaphore(%run_scoped3A : memref<!tpu.dma_semaphore, #tpu.memory_space<semaphore_mem>>) src(%dma_wait3A_31 : memref<6400xf32, #tpu.memory_space<hbm>>) dst(%dma_wait3A_30 : memref<6400xf32, #tpu.memory_space<vmem_shared>>)
      tpu.yield
    }) : () -> ()
    "tpu.region"() ({
      %run_scoped3A = tpu.sem_alloc : memref<!tpu.dma_semaphore, #tpu.memory_space<semaphore_mem>>
      %dma_start3A_28 = tpu.memref_slice %arg8[%mul3A_2] : memref<102400xf32, #tpu.memory_space<vmem_shared>> -> memref<6400xf32, #tpu.memory_space<vmem_shared>>
      %dma_start3A_29 = tpu.memref_slice %arg4[%mul3A_2] : memref<102400xf32, #tpu.memory_space<hbm>> -> memref<6400xf32, #tpu.memory_space<hbm>>
      tpu.enqueue_dma source(%dma_start3A_29 : memref<6400xf32, #tpu.memory_space<hbm>>) target(%dma_start3A_28 : memref<6400xf32, #tpu.memory_space<vmem_shared>>) target_semaphore(%run_scoped3A : memref<!tpu.dma_semaphore, #tpu.memory_space<semaphore_mem>>)
      %dma_wait3A_30 = tpu.memref_slice %arg8[%mul3A_2] : memref<102400xf32, #tpu.memory_space<vmem_shared>> -> memref<6400xf32, #tpu.memory_space<vmem_shared>>
      %dma_wait3A_31 = tpu.memref_slice %arg4[%mul3A_2] : memref<102400xf32, #tpu.memory_space<hbm>> -> memref<6400xf32, #tpu.memory_space<hbm>>
      tpu.wait_dma2 semaphore(%run_scoped3A : memref<!tpu.dma_semaphore, #tpu.memory_space<semaphore_mem>>) src(%dma_wait3A_31 : memref<6400xf32, #tpu.memory_space<hbm>>) dst(%dma_wait3A_30 : memref<6400xf32, #tpu.memory_space<vmem_shared>>)
      tpu.yield
    }) : () -> ()
    "tpu.region"() ({
      %run_scoped3A = tpu.sem_alloc : memref<!tpu.dma_semaphore, #tpu.memory_space<semaphore_mem>>
      %dma_start3A_28 = tpu.memref_slice %arg9[%mul3A_2] : memref<102400xf32, #tpu.memory_space<vmem_shared>> -> memref<6400xf32, #tpu.memory_space<vmem_shared>>
      %dma_start3A_29 = tpu.memref_slice %arg4[%mul3A_2] : memref<102400xf32, #tpu.memory_space<hbm>> -> memref<6400xf32, #tpu.memory_space<hbm>>
      tpu.enqueue_dma source(%dma_start3A_29 : memref<6400xf32, #tpu.memory_space<hbm>>) target(%dma_start3A_28 : memref<6400xf32, #tpu.memory_space<vmem_shared>>) target_semaphore(%run_scoped3A : memref<!tpu.dma_semaphore, #tpu.memory_space<semaphore_mem>>)
      %dma_wait3A_30 = tpu.memref_slice %arg9[%mul3A_2] : memref<102400xf32, #tpu.memory_space<vmem_shared>> -> memref<6400xf32, #tpu.memory_space<vmem_shared>>
      %dma_wait3A_31 = tpu.memref_slice %arg4[%mul3A_2] : memref<102400xf32, #tpu.memory_space<hbm>> -> memref<6400xf32, #tpu.memory_space<hbm>>
      tpu.wait_dma2 semaphore(%run_scoped3A : memref<!tpu.dma_semaphore, #tpu.memory_space<semaphore_mem>>) src(%dma_wait3A_31 : memref<6400xf32, #tpu.memory_space<hbm>>) dst(%dma_wait3A_30 : memref<6400xf32, #tpu.memory_space<vmem_shared>>)
      tpu.yield
    }) : () -> ()
    %barrier3A = arith.constant 0 : index
    tpu.barrier barrier_id(%barrier3A)
    %mul3A_7 = arith.constant 200000 : i32
    %mul3A_8 = arith.muli %add3A, %mul3A_7 : i32
    %dma_start3A = tpu.memref_slice %arg2[%mul3A_8] : memref<12800000xi32, #tpu.memory_space<hbm>> -> memref<10000xi32, #tpu.memory_space<hbm>>
    %dma_start3A_9 = tpu.memref_slice %arg2[%mul3A_8] : memref<12800000xi32, #tpu.memory_space<hbm>> -> memref<10000xi32, #tpu.memory_space<hbm>>
    tpu.enqueue_dma source(%dma_start3A_9 : memref<10000xi32, #tpu.memory_space<hbm>>) target(%arg10 : memref<10000xi32, #tpu.memory_space<vmem>>) target_semaphore(%arg18 : memref<!tpu.dma_semaphore, #tpu.memory_space<semaphore_mem>>)
    %add3A_10 = arith.constant 6400000 : i32
    %add3A_11 = arith.addi %add3A_10, %mul3A_8 : i32
    %dma_start3A_12 = tpu.memref_slice %arg2[%add3A_11] : memref<12800000xi32, #tpu.memory_space<hbm>> -> memref<10000xi32, #tpu.memory_space<hbm>>
    %dma_start3A_13 = tpu.memref_slice %arg2[%add3A_11] : memref<12800000xi32, #tpu.memory_space<hbm>> -> memref<10000xi32, #tpu.memory_space<hbm>>
    tpu.enqueue_dma source(%dma_start3A_13 : memref<10000xi32, #tpu.memory_space<hbm>>) target(%arg11 : memref<10000xi32, #tpu.memory_space<vmem>>) target_semaphore(%arg18 : memref<!tpu.dma_semaphore, #tpu.memory_space<semaphore_mem>>)
    %scan3A = arith.constant 0 : i32
    %scan3A_14 = arith.constant 0 : i32
    %scan3A_15 = arith.constant 10 : i32
    %scan3A_16 = arith.addi %scan3A_14, %scan3A_15 : i32
    %scan3A_17 = arith.constant 1 : i32
    %scan3A_18 = scf.for %scan3A_28 = %scan3A_14 to %scan3A_16 step %scan3A_17 iter_args(%scan3A_29 = %scan3A) -> (i32)  : i32 {
      %mul3A_30 = arith.constant 2 : i32
      %mul3A_31 = arith.muli %mul3A_30, %scan3A_28 : i32
      %add3A_32 = arith.constant 0 : i32
      %add3A_33 = arith.addi %mul3A_31, %add3A_32 : i32
      %mul3A_34 = arith.constant 10000 : i32
      %mul3A_35 = arith.muli %add3A_33, %mul3A_34 : i32
      %add3A_36 = arith.addi %mul3A_8, %mul3A_35 : i32
      %dma_wait3A_37 = tpu.memref_slice %arg2[%add3A_36] : memref<12800000xi32, #tpu.memory_space<hbm>> -> memref<10000xi32, #tpu.memory_space<hbm>>
      %dma_wait3A_38 = tpu.memref_slice %arg2[%add3A_36] : memref<12800000xi32, #tpu.memory_space<hbm>> -> memref<10000xi32, #tpu.memory_space<hbm>>
      tpu.wait_dma2 semaphore(%arg18 : memref<!tpu.dma_semaphore, #tpu.memory_space<semaphore_mem>>) src(%dma_wait3A_38 : memref<10000xi32, #tpu.memory_space<hbm>>) dst(%arg10 : memref<10000xi32, #tpu.memory_space<vmem>>)
      %add3A_39 = arith.constant 6400000 : i32
      %add3A_40 = arith.addi %add3A_39, %add3A_36 : i32
      %dma_wait3A_41 = tpu.memref_slice %arg2[%add3A_40] : memref<12800000xi32, #tpu.memory_space<hbm>> -> memref<10000xi32, #tpu.memory_space<hbm>>
      %dma_wait3A_42 = tpu.memref_slice %arg2[%add3A_40] : memref<12800000xi32, #tpu.memory_space<hbm>> -> memref<10000xi32, #tpu.memory_space<hbm>>
      tpu.wait_dma2 semaphore(%arg18 : memref<!tpu.dma_semaphore, #tpu.memory_space<semaphore_mem>>) src(%dma_wait3A_42 : memref<10000xi32, #tpu.memory_space<hbm>>) dst(%arg11 : memref<10000xi32, #tpu.memory_space<vmem>>)
      %dma_start3A_43 = arith.constant 0 : i32
      %dma_start3A_44 = tpu.memref_slice %arg6[%dma_start3A_43] : memref<102400xf32, #tpu.memory_space<vmem_shared>> -> memref<102400xf32, #tpu.memory_space<vmem_shared>>
      tpu.enqueue_indirect_dma source(%dma_start3A_44 : memref<102400xf32, #tpu.memory_space<vmem_shared>>) target(%arg12 : memref<10000xf32, #tpu.memory_space<vmem>>) offsets(%arg10 : memref<10000xi32, #tpu.memory_space<vmem>>) semaphore(%arg20 : memref<!tpu.dma_semaphore, #tpu.memory_space<semaphore_mem>>)
      %dma_start3A_45 = arith.constant 0 : i32
      %dma_start3A_46 = tpu.memref_slice %arg7[%dma_start3A_45] : memref<102400xf32, #tpu.memory_space<vmem_shared>> -> memref<102400xf32, #tpu.memory_space<vmem_shared>>
      tpu.enqueue_indirect_dma source(%dma_start3A_46 : memref<102400xf32, #tpu.memory_space<vmem_shared>>) target(%arg13 : memref<10000xf32, #tpu.memory_space<vmem>>) offsets(%arg10 : memref<10000xi32, #tpu.memory_space<vmem>>) semaphore(%arg20 : memref<!tpu.dma_semaphore, #tpu.memory_space<semaphore_mem>>)
      %gt3A = arith.constant 0 : i32
      %gt3A_47 = arith.cmpi sgt, %scan3A_28, %gt3A : i32
      %convert_element_type3A = arith.extui %gt3A_47 : i1 to i32
      %cond3A = arith.constant 0 : i32
      %cond3A_48 = arith.cmpi ne, %convert_element_type3A, %cond3A : i32
      scf.if %cond3A_48 {
        %dma_wait3A_102 = arith.constant 0 : i32
        %dma_wait3A_103 = tpu.memref_slice %arg8[%dma_wait3A_102] : memref<102400xf32, #tpu.memory_space<vmem_shared>> -> memref<102400xf32, #tpu.memory_space<vmem_shared>>
        tpu.wait_indirect_dma semaphore(%arg23 : memref<!tpu.dma_semaphore, #tpu.memory_space<semaphore_mem>>) src(%arg16 : memref<10000xf32, #tpu.memory_space<vmem>>) dst(%dma_wait3A_103 : memref<102400xf32, #tpu.memory_space<vmem_shared>>)
        %dma_wait3A_104 = arith.constant 0 : i32
        %dma_wait3A_105 = tpu.memref_slice %arg9[%dma_wait3A_104] : memref<102400xf32, #tpu.memory_space<vmem_shared>> -> memref<102400xf32, #tpu.memory_space<vmem_shared>>
        tpu.wait_indirect_dma semaphore(%arg23 : memref<!tpu.dma_semaphore, #tpu.memory_space<semaphore_mem>>) src(%arg17 : memref<10000xf32, #tpu.memory_space<vmem>>) dst(%dma_wait3A_105 : memref<102400xf32, #tpu.memory_space<vmem_shared>>)
      } else {
      }
      %add3A_49 = arith.constant 1 : i32
      %add3A_50 = arith.addi %add3A_33, %add3A_49 : i32
      %mul3A_51 = arith.constant 10000 : i32
      %mul3A_52 = arith.muli %add3A_50, %mul3A_51 : i32
      %add3A_53 = arith.addi %mul3A_8, %mul3A_52 : i32
      %dma_start3A_54 = tpu.memref_slice %arg2[%add3A_53] : memref<12800000xi32, #tpu.memory_space<hbm>> -> memref<10000xi32, #tpu.memory_space<hbm>>
      %dma_start3A_55 = tpu.memref_slice %arg2[%add3A_53] : memref<12800000xi32, #tpu.memory_space<hbm>> -> memref<10000xi32, #tpu.memory_space<hbm>>
      tpu.enqueue_dma source(%dma_start3A_55 : memref<10000xi32, #tpu.memory_space<hbm>>) target(%arg14 : memref<10000xi32, #tpu.memory_space<vmem>>) target_semaphore(%arg19 : memref<!tpu.dma_semaphore, #tpu.memory_space<semaphore_mem>>)
      %add3A_56 = arith.constant 6400000 : i32
      %add3A_57 = arith.addi %add3A_56, %add3A_53 : i32
      %dma_start3A_58 = tpu.memref_slice %arg2[%add3A_57] : memref<12800000xi32, #tpu.memory_space<hbm>> -> memref<10000xi32, #tpu.memory_space<hbm>>
      %dma_start3A_59 = tpu.memref_slice %arg2[%add3A_57] : memref<12800000xi32, #tpu.memory_space<hbm>> -> memref<10000xi32, #tpu.memory_space<hbm>>
      tpu.enqueue_dma source(%dma_start3A_59 : memref<10000xi32, #tpu.memory_space<hbm>>) target(%arg15 : memref<10000xi32, #tpu.memory_space<vmem>>) target_semaphore(%arg19 : memref<!tpu.dma_semaphore, #tpu.memory_space<semaphore_mem>>)
      %dma_wait3A_60 = arith.constant 0 : i32
      %dma_wait3A_61 = tpu.memref_slice %arg6[%dma_wait3A_60] : memref<102400xf32, #tpu.memory_space<vmem_shared>> -> memref<102400xf32, #tpu.memory_space<vmem_shared>>
      tpu.wait_indirect_dma semaphore(%arg20 : memref<!tpu.dma_semaphore, #tpu.memory_space<semaphore_mem>>) src(%dma_wait3A_61 : memref<102400xf32, #tpu.memory_space<vmem_shared>>) dst(%arg12 : memref<10000xf32, #tpu.memory_space<vmem>>)
      %dma_wait3A_62 = arith.constant 0 : i32
      %dma_wait3A_63 = tpu.memref_slice %arg7[%dma_wait3A_62] : memref<102400xf32, #tpu.memory_space<vmem_shared>> -> memref<102400xf32, #tpu.memory_space<vmem_shared>>
      tpu.wait_indirect_dma semaphore(%arg20 : memref<!tpu.dma_semaphore, #tpu.memory_space<semaphore_mem>>) src(%dma_wait3A_63 : memref<102400xf32, #tpu.memory_space<vmem_shared>>) dst(%arg13 : memref<10000xf32, #tpu.memory_space<vmem>>)
      %dma_start3A_64 = arith.constant 0 : i32
      %dma_start3A_65 = tpu.memref_slice %arg8[%dma_start3A_64] : memref<102400xf32, #tpu.memory_space<vmem_shared>> -> memref<102400xf32, #tpu.memory_space<vmem_shared>>
      tpu.enqueue_indirect_dma source(%arg12 : memref<10000xf32, #tpu.memory_space<vmem>>) target(%dma_start3A_65 : memref<102400xf32, #tpu.memory_space<vmem_shared>>) offsets(%arg11 : memref<10000xi32, #tpu.memory_space<vmem>>) semaphore(%arg22 : memref<!tpu.dma_semaphore, #tpu.memory_space<semaphore_mem>>) {add = true}
      %dma_start3A_66 = arith.constant 0 : i32
      %dma_start3A_67 = tpu.memref_slice %arg9[%dma_start3A_66] : memref<102400xf32, #tpu.memory_space<vmem_shared>> -> memref<102400xf32, #tpu.memory_space<vmem_shared>>
      tpu.enqueue_indirect_dma source(%arg13 : memref<10000xf32, #tpu.memory_space<vmem>>) target(%dma_start3A_67 : memref<102400xf32, #tpu.memory_space<vmem_shared>>) offsets(%arg11 : memref<10000xi32, #tpu.memory_space<vmem>>) semaphore(%arg22 : memref<!tpu.dma_semaphore, #tpu.memory_space<semaphore_mem>>) {add = true}
      %mul3A_68 = arith.constant 2 : i32
      %mul3A_69 = arith.muli %mul3A_68, %scan3A_28 : i32
      %add3A_70 = arith.constant 1 : i32
      %add3A_71 = arith.addi %mul3A_69, %add3A_70 : i32
      %mul3A_72 = arith.constant 10000 : i32
      %mul3A_73 = arith.muli %add3A_71, %mul3A_72 : i32
      %add3A_74 = arith.addi %mul3A_8, %mul3A_73 : i32
      %dma_wait3A_75 = tpu.memref_slice %arg2[%add3A_74] : memref<12800000xi32, #tpu.memory_space<hbm>> -> memref<10000xi32, #tpu.memory_space<hbm>>
      %dma_wait3A_76 = tpu.memref_slice %arg2[%add3A_74] : memref<12800000xi32, #tpu.memory_space<hbm>> -> memref<10000xi32, #tpu.memory_space<hbm>>
      tpu.wait_dma2 semaphore(%arg19 : memref<!tpu.dma_semaphore, #tpu.memory_space<semaphore_mem>>) src(%dma_wait3A_76 : memref<10000xi32, #tpu.memory_space<hbm>>) dst(%arg14 : memref<10000xi32, #tpu.memory_space<vmem>>)
      %add3A_77 = arith.constant 6400000 : i32
      %add3A_78 = arith.addi %add3A_77, %add3A_74 : i32
      %dma_wait3A_79 = tpu.memref_slice %arg2[%add3A_78] : memref<12800000xi32, #tpu.memory_space<hbm>> -> memref<10000xi32, #tpu.memory_space<hbm>>
      %dma_wait3A_80 = tpu.memref_slice %arg2[%add3A_78] : memref<12800000xi32, #tpu.memory_space<hbm>> -> memref<10000xi32, #tpu.memory_space<hbm>>
      tpu.wait_dma2 semaphore(%arg19 : memref<!tpu.dma_semaphore, #tpu.memory_space<semaphore_mem>>) src(%dma_wait3A_80 : memref<10000xi32, #tpu.memory_space<hbm>>) dst(%arg15 : memref<10000xi32, #tpu.memory_space<vmem>>)
      %dma_start3A_81 = arith.constant 0 : i32
      %dma_start3A_82 = tpu.memref_slice %arg6[%dma_start3A_81] : memref<102400xf32, #tpu.memory_space<vmem_shared>> -> memref<102400xf32, #tpu.memory_space<vmem_shared>>
      tpu.enqueue_indirect_dma source(%dma_start3A_82 : memref<102400xf32, #tpu.memory_space<vmem_shared>>) target(%arg16 : memref<10000xf32, #tpu.memory_space<vmem>>) offsets(%arg14 : memref<10000xi32, #tpu.memory_space<vmem>>) semaphore(%arg21 : memref<!tpu.dma_semaphore, #tpu.memory_space<semaphore_mem>>)
      %dma_start3A_83 = arith.constant 0 : i32
      %dma_start3A_84 = tpu.memref_slice %arg7[%dma_start3A_83] : memref<102400xf32, #tpu.memory_space<vmem_shared>> -> memref<102400xf32, #tpu.memory_space<vmem_shared>>
      tpu.enqueue_indirect_dma source(%dma_start3A_84 : memref<102400xf32, #tpu.memory_space<vmem_shared>>) target(%arg17 : memref<10000xf32, #tpu.memory_space<vmem>>) offsets(%arg14 : memref<10000xi32, #tpu.memory_space<vmem>>) semaphore(%arg21 : memref<!tpu.dma_semaphore, #tpu.memory_space<semaphore_mem>>)
      %dma_wait3A_85 = arith.constant 0 : i32
      %dma_wait3A_86 = tpu.memref_slice %arg8[%dma_wait3A_85] : memref<102400xf32, #tpu.memory_space<vmem_shared>> -> memref<102400xf32, #tpu.memory_space<vmem_shared>>
      tpu.wait_indirect_dma semaphore(%arg22 : memref<!tpu.dma_semaphore, #tpu.memory_space<semaphore_mem>>) src(%arg12 : memref<10000xf32, #tpu.memory_space<vmem>>) dst(%dma_wait3A_86 : memref<102400xf32, #tpu.memory_space<vmem_shared>>)
      %dma_wait3A_87 = arith.constant 0 : i32
      %dma_wait3A_88 = tpu.memref_slice %arg9[%dma_wait3A_87] : memref<102400xf32, #tpu.memory_space<vmem_shared>> -> memref<102400xf32, #tpu.memory_space<vmem_shared>>
      tpu.wait_indirect_dma semaphore(%arg22 : memref<!tpu.dma_semaphore, #tpu.memory_space<semaphore_mem>>) src(%arg13 : memref<10000xf32, #tpu.memory_space<vmem>>) dst(%dma_wait3A_88 : memref<102400xf32, #tpu.memory_space<vmem_shared>>)
      %lt3A = arith.constant 9 : i32
      %lt3A_89 = arith.cmpi slt, %scan3A_28, %lt3A : i32
      %convert_element_type3A_90 = arith.extui %lt3A_89 : i1 to i32
      %cond3A_91 = arith.constant 0 : i32
      %cond3A_92 = arith.cmpi ne, %convert_element_type3A_90, %cond3A_91 : i32
      scf.if %cond3A_92 {
        %add3A_102 = arith.constant 1 : i32
        %add3A_103 = arith.addi %add3A_71, %add3A_102 : i32
        %mul3A_104 = arith.constant 10000 : i32
        %mul3A_105 = arith.muli %add3A_103, %mul3A_104 : i32
        %add3A_106 = arith.addi %mul3A_8, %mul3A_105 : i32
        %dma_start3A_107 = tpu.memref_slice %arg2[%add3A_106] : memref<12800000xi32, #tpu.memory_space<hbm>> -> memref<10000xi32, #tpu.memory_space<hbm>>
        %dma_start3A_108 = tpu.memref_slice %arg2[%add3A_106] : memref<12800000xi32, #tpu.memory_space<hbm>> -> memref<10000xi32, #tpu.memory_space<hbm>>
        tpu.enqueue_dma source(%dma_start3A_108 : memref<10000xi32, #tpu.memory_space<hbm>>) target(%arg10 : memref<10000xi32, #tpu.memory_space<vmem>>) target_semaphore(%arg18 : memref<!tpu.dma_semaphore, #tpu.memory_space<semaphore_mem>>)
        %add3A_109 = arith.constant 6400000 : i32
        %add3A_110 = arith.addi %add3A_109, %add3A_106 : i32
        %dma_start3A_111 = tpu.memref_slice %arg2[%add3A_110] : memref<12800000xi32, #tpu.memory_space<hbm>> -> memref<10000xi32, #tpu.memory_space<hbm>>
        %dma_start3A_112 = tpu.memref_slice %arg2[%add3A_110] : memref<12800000xi32, #tpu.memory_space<hbm>> -> memref<10000xi32, #tpu.memory_space<hbm>>
        tpu.enqueue_dma source(%dma_start3A_112 : memref<10000xi32, #tpu.memory_space<hbm>>) target(%arg11 : memref<10000xi32, #tpu.memory_space<vmem>>) target_semaphore(%arg18 : memref<!tpu.dma_semaphore, #tpu.memory_space<semaphore_mem>>)
      } else {
      }
      %dma_wait3A_93 = arith.constant 0 : i32
      %dma_wait3A_94 = tpu.memref_slice %arg6[%dma_wait3A_93] : memref<102400xf32, #tpu.memory_space<vmem_shared>> -> memref<102400xf32, #tpu.memory_space<vmem_shared>>
      tpu.wait_indirect_dma semaphore(%arg21 : memref<!tpu.dma_semaphore, #tpu.memory_space<semaphore_mem>>) src(%dma_wait3A_94 : memref<102400xf32, #tpu.memory_space<vmem_shared>>) dst(%arg16 : memref<10000xf32, #tpu.memory_space<vmem>>)
      %dma_wait3A_95 = arith.constant 0 : i32
      %dma_wait3A_96 = tpu.memref_slice %arg7[%dma_wait3A_95] : memref<102400xf32, #tpu.memory_space<vmem_shared>> -> memref<102400xf32, #tpu.memory_space<vmem_shared>>
      tpu.wait_indirect_dma semaphore(%arg21 : memref<!tpu.dma_semaphore, #tpu.memory_space<semaphore_mem>>) src(%dma_wait3A_96 : memref<102400xf32, #tpu.memory_space<vmem_shared>>) dst(%arg17 : memref<10000xf32, #tpu.memory_space<vmem>>)
      %dma_start3A_97 = arith.constant 0 : i32
      %dma_start3A_98 = tpu.memref_slice %arg8[%dma_start3A_97] : memref<102400xf32, #tpu.memory_space<vmem_shared>> -> memref<102400xf32, #tpu.memory_space<vmem_shared>>
      tpu.enqueue_indirect_dma source(%arg16 : memref<10000xf32, #tpu.memory_space<vmem>>) target(%dma_start3A_98 : memref<102400xf32, #tpu.memory_space<vmem_shared>>) offsets(%arg15 : memref<10000xi32, #tpu.memory_space<vmem>>) semaphore(%arg23 : memref<!tpu.dma_semaphore, #tpu.memory_space<semaphore_mem>>) {add = true}
      %dma_start3A_99 = arith.constant 0 : i32
      %dma_start3A_100 = tpu.memref_slice %arg9[%dma_start3A_99] : memref<102400xf32, #tpu.memory_space<vmem_shared>> -> memref<102400xf32, #tpu.memory_space<vmem_shared>>
      tpu.enqueue_indirect_dma source(%arg17 : memref<10000xf32, #tpu.memory_space<vmem>>) target(%dma_start3A_100 : memref<102400xf32, #tpu.memory_space<vmem_shared>>) offsets(%arg15 : memref<10000xi32, #tpu.memory_space<vmem>>) semaphore(%arg23 : memref<!tpu.dma_semaphore, #tpu.memory_space<semaphore_mem>>) {add = true}
      %scan3A_101 = arith.constant 0 : i32
      scf.yield %scan3A_101 : i32
    }
    %scan3A_19 = arith.constant 10 : i32
    %dma_wait3A = arith.constant 0 : i32
    %dma_wait3A_20 = tpu.memref_slice %arg8[%dma_wait3A] : memref<102400xf32, #tpu.memory_space<vmem_shared>> -> memref<102400xf32, #tpu.memory_space<vmem_shared>>
    tpu.wait_indirect_dma semaphore(%arg23 : memref<!tpu.dma_semaphore, #tpu.memory_space<semaphore_mem>>) src(%arg16 : memref<10000xf32, #tpu.memory_space<vmem>>) dst(%dma_wait3A_20 : memref<102400xf32, #tpu.memory_space<vmem_shared>>)
    %dma_wait3A_21 = arith.constant 0 : i32
    %dma_wait3A_22 = tpu.memref_slice %arg9[%dma_wait3A_21] : memref<102400xf32, #tpu.memory_space<vmem_shared>> -> memref<102400xf32, #tpu.memory_space<vmem_shared>>
    tpu.wait_indirect_dma semaphore(%arg23 : memref<!tpu.dma_semaphore, #tpu.memory_space<semaphore_mem>>) src(%arg17 : memref<10000xf32, #tpu.memory_space<vmem>>) dst(%dma_wait3A_22 : memref<102400xf32, #tpu.memory_space<vmem_shared>>)
    %barrier3A_23 = arith.constant 0 : index
    tpu.barrier barrier_id(%barrier3A_23)
    "tpu.region"() ({
      %run_scoped3A = tpu.sem_alloc : memref<!tpu.dma_semaphore, #tpu.memory_space<semaphore_mem>>
      %dma_start3A_28 = tpu.memref_slice %arg5[%arg0, %mul3A_2] : memref<2x204800xf32, #tpu.memory_space<hbm>> -> memref<1x6400xf32, #tpu.memory_space<hbm>>
      %dma_start3A_29 = tpu.memref_squeeze %dma_start3A_28 : memref<1x6400xf32, #tpu.memory_space<hbm>> -> memref<6400xf32, #tpu.memory_space<hbm>>
      %dma_start3A_30 = tpu.memref_slice %arg8[%mul3A_2] : memref<102400xf32, #tpu.memory_space<vmem_shared>> -> memref<6400xf32, #tpu.memory_space<vmem_shared>>
      tpu.enqueue_dma source(%dma_start3A_30 : memref<6400xf32, #tpu.memory_space<vmem_shared>>) target(%dma_start3A_29 : memref<6400xf32, #tpu.memory_space<hbm>>) target_semaphore(%run_scoped3A : memref<!tpu.dma_semaphore, #tpu.memory_space<semaphore_mem>>)
      %dma_wait3A_31 = tpu.memref_slice %arg5[%arg0, %mul3A_2] : memref<2x204800xf32, #tpu.memory_space<hbm>> -> memref<1x6400xf32, #tpu.memory_space<hbm>>
      %dma_wait3A_32 = tpu.memref_squeeze %dma_wait3A_31 : memref<1x6400xf32, #tpu.memory_space<hbm>> -> memref<6400xf32, #tpu.memory_space<hbm>>
      %dma_wait3A_33 = tpu.memref_slice %arg8[%mul3A_2] : memref<102400xf32, #tpu.memory_space<vmem_shared>> -> memref<6400xf32, #tpu.memory_space<vmem_shared>>
      tpu.wait_dma2 semaphore(%run_scoped3A : memref<!tpu.dma_semaphore, #tpu.memory_space<semaphore_mem>>) src(%dma_wait3A_33 : memref<6400xf32, #tpu.memory_space<vmem_shared>>) dst(%dma_wait3A_32 : memref<6400xf32, #tpu.memory_space<hbm>>)
      tpu.yield
    }) : () -> ()
    %mul3A_24 = arith.constant 6400 : i32
    %mul3A_25 = arith.muli %arg1, %mul3A_24 : i32
    %add3A_26 = arith.constant 102400 : i32
    %add3A_27 = arith.addi %add3A_26, %mul3A_25 : i32
    "tpu.region"() ({
      %run_scoped3A = tpu.sem_alloc : memref<!tpu.dma_semaphore, #tpu.memory_space<semaphore_mem>>
      %dma_start3A_28 = tpu.memref_slice %arg5[%arg0, %add3A_27] : memref<2x204800xf32, #tpu.memory_space<hbm>> -> memref<1x6400xf32, #tpu.memory_space<hbm>>
      %dma_start3A_29 = tpu.memref_squeeze %dma_start3A_28 : memref<1x6400xf32, #tpu.memory_space<hbm>> -> memref<6400xf32, #tpu.memory_space<hbm>>
      %dma_start3A_30 = tpu.memref_slice %arg9[%mul3A_2] : memref<102400xf32, #tpu.memory_space<vmem_shared>> -> memref<6400xf32, #tpu.memory_space<vmem_shared>>
      tpu.enqueue_dma source(%dma_start3A_30 : memref<6400xf32, #tpu.memory_space<vmem_shared>>) target(%dma_start3A_29 : memref<6400xf32, #tpu.memory_space<hbm>>) target_semaphore(%run_scoped3A : memref<!tpu.dma_semaphore, #tpu.memory_space<semaphore_mem>>)
      %dma_wait3A_31 = tpu.memref_slice %arg5[%arg0, %add3A_27] : memref<2x204800xf32, #tpu.memory_space<hbm>> -> memref<1x6400xf32, #tpu.memory_space<hbm>>
      %dma_wait3A_32 = tpu.memref_squeeze %dma_wait3A_31 : memref<1x6400xf32, #tpu.memory_space<hbm>> -> memref<6400xf32, #tpu.memory_space<hbm>>
      %dma_wait3A_33 = tpu.memref_slice %arg9[%mul3A_2] : memref<102400xf32, #tpu.memory_space<vmem_shared>> -> memref<6400xf32, #tpu.memory_space<vmem_shared>>
      tpu.wait_dma2 semaphore(%run_scoped3A : memref<!tpu.dma_semaphore, #tpu.memory_space<semaphore_mem>>) src(%dma_wait3A_33 : memref<6400xf32, #tpu.memory_space<vmem_shared>>) dst(%dma_wait3A_32 : memref<6400xf32, #tpu.memory_space<hbm>>)
      tpu.yield
    }) : () -> ()
    return
  }
}

module attributes {stable_mosaic.version = 14 : i64} {
  func.func @_d1_body(%arg0: i32, %arg1: memref<2x12800xf32, #tpu.memory_space<vmem>>, %arg2: memref<2x12800xf32, #tpu.memory_space<vmem>>, %arg3: memref<1x12800xf32, #tpu.memory_space<vmem>>, %arg4: memref<2x12800xf32, #tpu.memory_space<vmem>>) attributes {dimension_semantics = [#tpu.dimension_semantics<arbitrary>], iteration_bounds = array<i64: 8>, scalar_prefetch = 0 : i64, scratch_operands = 0 : i64, tpu.core_type = #tpu.core_type<tc>, window_params = [{transform_indices = @transform_0, window_bounds = array<i64: 2, 12800>}, {transform_indices = @transform_1, window_bounds = array<i64: 2, 12800>}, {transform_indices = @transform_2, window_bounds = array<i64: 1, 12800>}, {transform_indices = @transform_3, window_bounds = array<i64: 2, 12800>}]} {
    %get3A = arith.constant 0 : index
    %get3A_0 = arith.constant 0 : index
    %get3A_1 = vector.load %arg1[%get3A, %get3A_0] : memref<2x12800xf32, #tpu.memory_space<vmem>>, vector<1x12800xf32>
    %get3A_2 = vector.shape_cast %get3A_1 : vector<1x12800xf32> to vector<12800xf32>
    %broadcast_in_dim3A = vector.shape_cast %get3A_2 : vector<12800xf32> to vector<1x12800xf32>
    %get3A_3 = arith.constant 1 : index
    %get3A_4 = arith.constant 0 : index
    %get3A_5 = vector.load %arg1[%get3A_3, %get3A_4] : memref<2x12800xf32, #tpu.memory_space<vmem>>, vector<1x12800xf32>
    %get3A_6 = vector.shape_cast %get3A_5 : vector<1x12800xf32> to vector<12800xf32>
    %broadcast_in_dim3A_7 = vector.shape_cast %get3A_6 : vector<12800xf32> to vector<1x12800xf32>
    %add3A = arith.addf %broadcast_in_dim3A, %broadcast_in_dim3A_7 : vector<1x12800xf32>
    %add3A_8 = arith.constant 1.000000e+00 : f32
    %add3A_9 = vector.broadcast %add3A_8 : f32 to vector<1x12800xf32>
    %add3A_10 = arith.addf %add3A, %add3A_9 : vector<1x12800xf32>
    %rsqrt3A = math.rsqrt %add3A_10 : vector<1x12800xf32>
    %swap3A = arith.constant 0 : index
    %swap3A_11 = arith.constant 0 : index
    %swap3A_12 = vector.load %arg3[%swap3A, %swap3A_11] : memref<1x12800xf32, #tpu.memory_space<vmem>>, vector<1x12800xf32>
    tpu.vector_store %arg3[%swap3A, %swap3A_11], %rsqrt3A {strides = array<i32>} : memref<1x12800xf32, #tpu.memory_space<vmem>>, vector<1x12800xf32>,
    %get3A_13 = arith.constant 0 : index
    %get3A_14 = arith.constant 0 : index
    %get3A_15 = vector.load %arg2[%get3A_13, %get3A_14] : memref<2x12800xf32, #tpu.memory_space<vmem>>, vector<2x12800xf32>
    %mul3A = vector.broadcast %rsqrt3A : vector<1x12800xf32> to vector<2x12800xf32>
    %mul3A_16 = arith.mulf %mul3A, %get3A_15 : vector<2x12800xf32>
    %swap3A_17 = arith.constant 0 : index
    %swap3A_18 = arith.constant 0 : index
    %swap3A_19 = vector.load %arg4[%swap3A_17, %swap3A_18] : memref<2x12800xf32, #tpu.memory_space<vmem>>, vector<2x12800xf32>
    tpu.vector_store %arg4[%swap3A_17, %swap3A_18], %mul3A_16 {strides = array<i32>} : memref<2x12800xf32, #tpu.memory_space<vmem>>, vector<2x12800xf32>,
    return
  }
  func.func @transform_0(%arg0: i32) -> (i32, i32) {
    %c0_i32 = arith.constant 0 : i32
    %c0_i32_0 = arith.constant 0 : i32
    return %c0_i32, %arg0 : i32, i32
  }
  func.func @transform_1(%arg0: i32) -> (i32, i32) {
    %c0_i32 = arith.constant 0 : i32
    %c0_i32_0 = arith.constant 0 : i32
    return %c0_i32, %arg0 : i32, i32
  }
  func.func @transform_2(%arg0: i32) -> (i32, i32) {
    %c0_i32 = arith.constant 0 : i32
    %c0_i32_0 = arith.constant 0 : i32
    return %c0_i32, %arg0 : i32, i32
  }
  func.func @transform_3(%arg0: i32) -> (i32, i32) {
    %c0_i32 = arith.constant 0 : i32
    %c0_i32_0 = arith.constant 0 : i32
    return %c0_i32, %arg0 : i32, i32
  }
}

module attributes {stable_mosaic.version = 14 : i64} {
  func.func @_d2_body(%arg0: i32, %arg1: memref<2x2x12800xf32, #tpu.memory_space<vmem>>, %arg2: memref<1x12800xf32, #tpu.memory_space<vmem>>, %arg3: memref<2x12800xf32, #tpu.memory_space<vmem>>, %arg4: memref<2x16xf32, #tpu.memory_space<vmem>>, %arg5: memref<16x1xf32, #tpu.memory_space<vmem>>, %arg6: memref<16x2xf32, #tpu.memory_space<vmem>>, %arg7: memref<2x12800xf32, #tpu.memory_space<vmem>>, %arg8: memref<2x12800xf32, #tpu.memory_space<vmem>>) attributes {dimension_semantics = [#tpu.dimension_semantics<arbitrary>], iteration_bounds = array<i64: 8>, scalar_prefetch = 0 : i64, scratch_operands = 0 : i64, tpu.core_type = #tpu.core_type<tc>, window_params = [{transform_indices = @transform_0, window_bounds = array<i64: 2, 2, 12800>}, {transform_indices = @transform_1, window_bounds = array<i64: 1, 12800>}, {transform_indices = @transform_2, window_bounds = array<i64: 2, 12800>}, {pipeline_mode = #tpu.pipeline_mode<synchronous>, transform_indices = @transform_3, window_bounds = array<i64: 2, 16>}, {pipeline_mode = #tpu.pipeline_mode<synchronous>, transform_indices = @transform_4, window_bounds = array<i64: 16, 1>}, {pipeline_mode = #tpu.pipeline_mode<synchronous>, transform_indices = @transform_5, window_bounds = array<i64: 16, 2>}, {transform_indices = @transform_6, window_bounds = array<i64: 2, 12800>}, {transform_indices = @transform_7, window_bounds = array<i64: 2, 12800>}]} {
    %get3A = arith.constant 0 : index
    %get3A_0 = arith.constant 0 : index
    %get3A_1 = vector.load %arg2[%get3A, %get3A_0] : memref<1x12800xf32, #tpu.memory_space<vmem>>, vector<1x12800xf32>
    %get3A_2 = arith.constant 0 : index
    %get3A_3 = arith.constant 0 : index
    %get3A_4 = arith.constant 0 : index
    %get3A_5 = vector.load %arg1[%get3A_2, %get3A_3, %get3A_4] : memref<2x2x12800xf32, #tpu.memory_space<vmem>>, vector<1x2x12800xf32>
    %get3A_6 = vector.shape_cast %get3A_5 : vector<1x2x12800xf32> to vector<2x12800xf32>
    %get3A_7 = arith.constant 1 : index
    %get3A_8 = arith.constant 0 : index
    %get3A_9 = arith.constant 0 : index
    %get3A_10 = vector.load %arg1[%get3A_7, %get3A_8, %get3A_9] : memref<2x2x12800xf32, #tpu.memory_space<vmem>>, vector<1x2x12800xf32>
    %get3A_11 = vector.shape_cast %get3A_10 : vector<1x2x12800xf32> to vector<2x12800xf32>
    %add3A = arith.addf %get3A_6, %get3A_11 : vector<2x12800xf32>
    %mul3A = vector.broadcast %get3A_1 : vector<1x12800xf32> to vector<2x12800xf32>
    %mul3A_12 = arith.mulf %mul3A, %add3A : vector<2x12800xf32>
    %mul3A_13 = arith.mulf %get3A_1, %get3A_1 : vector<1x12800xf32>
    %get3A_14 = arith.constant 0 : index
    %get3A_15 = arith.constant 0 : index
    %get3A_16 = vector.load %arg3[%get3A_14, %get3A_15] : memref<2x12800xf32, #tpu.memory_space<vmem>>, vector<2x12800xf32>
    %mul3A_17 = vector.broadcast %mul3A_13 : vector<1x12800xf32> to vector<2x12800xf32>
    %mul3A_18 = arith.mulf %mul3A_17, %get3A_16 : vector<2x12800xf32>
    %add3A_19 = arith.addf %mul3A_12, %mul3A_18 : vector<2x12800xf32>
    %get3A_20 = arith.constant 0 : index
    %get3A_21 = arith.constant 0 : index
    %get3A_22 = vector.load %arg4[%get3A_20, %get3A_21] : memref<2x16xf32, #tpu.memory_space<vmem>>, vector<2x16xf32>
    %dot_general3A = arith.constant dense<0.000000e+00> : vector<16x12800xf32>
    %dot_general3A_23 = tpu.matmul %get3A_22, %add3A_19, %dot_general3A {dimension_numbers = #tpu.dot_dimension_numbers<[0], [0], [1], [1], [0, 1, 1, 1], [], []>, transpose_lhs_hint = false} : vector<2x16xf32>, vector<2x12800xf32>, vector<16x12800xf32> -> vector<16x12800xf32>
    %get3A_24 = arith.constant 0 : index
    %get3A_25 = arith.constant 0 : index
    %get3A_26 = vector.load %arg5[%get3A_24, %get3A_25] : memref<16x1xf32, #tpu.memory_space<vmem>>, vector<16x1xf32>
    %add3A_27 = vector.broadcast %get3A_26 : vector<16x1xf32> to vector<16x12800xf32>
    %add3A_28 = arith.addf %dot_general3A_23, %add3A_27 : vector<16x12800xf32>
    %max3A = arith.constant 0.000000e+00 : f32
    %max3A_29 = vector.broadcast %max3A : f32 to vector<16x12800xf32>
    %max3A_30 = arith.maximumf %add3A_28, %max3A_29 : vector<16x12800xf32>
    %get3A_31 = arith.constant 0 : index
    %get3A_32 = arith.constant 0 : index
    %get3A_33 = vector.load %arg6[%get3A_31, %get3A_32] : memref<16x2xf32, #tpu.memory_space<vmem>>, vector<16x2xf32>
    %dot_general3A_34 = arith.constant dense<0.000000e+00> : vector<2x12800xf32>
    %dot_general3A_35 = tpu.matmul %get3A_33, %max3A_30, %dot_general3A_34 {dimension_numbers = #tpu.dot_dimension_numbers<[0], [0], [1], [1], [0, 1, 1, 1], [], []>, transpose_lhs_hint = false} : vector<16x2xf32>, vector<16x12800xf32>, vector<2x12800xf32> -> vector<2x12800xf32>
    %swap3A = arith.constant 0 : index
    %swap3A_36 = arith.constant 0 : index
    %swap3A_37 = vector.load %arg8[%swap3A, %swap3A_36] : memref<2x12800xf32, #tpu.memory_space<vmem>>, vector<2x12800xf32>
    tpu.vector_store %arg8[%swap3A, %swap3A_36], %dot_general3A_35 {strides = array<i32>} : memref<2x12800xf32, #tpu.memory_space<vmem>>, vector<2x12800xf32>,
    %mul3A_38 = vector.broadcast %get3A_1 : vector<1x12800xf32> to vector<2x12800xf32>
    %mul3A_39 = arith.mulf %mul3A_38, %dot_general3A_35 : vector<2x12800xf32>
    %swap3A_40 = arith.constant 0 : index
    %swap3A_41 = arith.constant 0 : index
    %swap3A_42 = vector.load %arg7[%swap3A_40, %swap3A_41] : memref<2x12800xf32, #tpu.memory_space<vmem>>, vector<2x12800xf32>
    tpu.vector_store %arg7[%swap3A_40, %swap3A_41], %mul3A_39 {strides = array<i32>} : memref<2x12800xf32, #tpu.memory_space<vmem>>, vector<2x12800xf32>,
    return
  }
  func.func @transform_0(%arg0: i32) -> (i32, i32, i32) {
    %c0_i32 = arith.constant 0 : i32
    %c0_i32_0 = arith.constant 0 : i32
    %c0_i32_1 = arith.constant 0 : i32
    return %c0_i32, %c0_i32_0, %arg0 : i32, i32, i32
  }
  func.func @transform_1(%arg0: i32) -> (i32, i32) {
    %c0_i32 = arith.constant 0 : i32
    %c0_i32_0 = arith.constant 0 : i32
    return %c0_i32, %arg0 : i32, i32
  }
  func.func @transform_2(%arg0: i32) -> (i32, i32) {
    %c0_i32 = arith.constant 0 : i32
    %c0_i32_0 = arith.constant 0 : i32
    return %c0_i32, %arg0 : i32, i32
  }
  func.func @transform_3(%arg0: i32) -> (i32, i32) {
    %c0_i32 = arith.constant 0 : i32
    %c0_i32_0 = arith.constant 0 : i32
    %c0_i32_1 = arith.constant 0 : i32
    return %c0_i32, %c0_i32_0 : i32, i32
  }
  func.func @transform_4(%arg0: i32) -> (i32, i32) {
    %c0_i32 = arith.constant 0 : i32
    %c0_i32_0 = arith.constant 0 : i32
    %c0_i32_1 = arith.constant 0 : i32
    return %c0_i32, %c0_i32_0 : i32, i32
  }
  func.func @transform_5(%arg0: i32) -> (i32, i32) {
    %c0_i32 = arith.constant 0 : i32
    %c0_i32_0 = arith.constant 0 : i32
    %c0_i32_1 = arith.constant 0 : i32
    return %c0_i32, %c0_i32_0 : i32, i32
  }
  func.func @transform_6(%arg0: i32) -> (i32, i32) {
    %c0_i32 = arith.constant 0 : i32
    %c0_i32_0 = arith.constant 0 : i32
    return %c0_i32, %arg0 : i32, i32
  }
  func.func @transform_7(%arg0: i32) -> (i32, i32) {
    %c0_i32 = arith.constant 0 : i32
    %c0_i32_0 = arith.constant 0 : i32
    return %c0_i32, %arg0 : i32, i32
  }
}

module attributes {stable_mosaic.version = 14 : i64} {
  func.func @_d3_body(%arg0: i32, %arg1: memref<2x2x12800xf32, #tpu.memory_space<vmem>>, %arg2: memref<1x12800xf32, #tpu.memory_space<vmem>>, %arg3: memref<2x12800xf32, #tpu.memory_space<vmem>>, %arg4: memref<2x1xf32, #tpu.memory_space<vmem>>, %arg5: memref<2x12800xf32, #tpu.memory_space<vmem>>) attributes {dimension_semantics = [#tpu.dimension_semantics<arbitrary>], iteration_bounds = array<i64: 8>, scalar_prefetch = 0 : i64, scratch_operands = 0 : i64, tpu.core_type = #tpu.core_type<tc>, window_params = [{transform_indices = @transform_0, window_bounds = array<i64: 2, 2, 12800>}, {transform_indices = @transform_1, window_bounds = array<i64: 1, 12800>}, {transform_indices = @transform_2, window_bounds = array<i64: 2, 12800>}, {pipeline_mode = #tpu.pipeline_mode<synchronous>, transform_indices = @transform_3, window_bounds = array<i64: 2, 1>}, {transform_indices = @transform_4, window_bounds = array<i64: 2, 12800>}]} {
    %get3A = arith.constant 0 : index
    %get3A_0 = arith.constant 0 : index
    %get3A_1 = vector.load %arg2[%get3A, %get3A_0] : memref<1x12800xf32, #tpu.memory_space<vmem>>, vector<1x12800xf32>
    %get3A_2 = arith.constant 0 : index
    %get3A_3 = arith.constant 0 : index
    %get3A_4 = arith.constant 0 : index
    %get3A_5 = vector.load %arg1[%get3A_2, %get3A_3, %get3A_4] : memref<2x2x12800xf32, #tpu.memory_space<vmem>>, vector<1x2x12800xf32>
    %get3A_6 = vector.shape_cast %get3A_5 : vector<1x2x12800xf32> to vector<2x12800xf32>
    %get3A_7 = arith.constant 1 : index
    %get3A_8 = arith.constant 0 : index
    %get3A_9 = arith.constant 0 : index
    %get3A_10 = vector.load %arg1[%get3A_7, %get3A_8, %get3A_9] : memref<2x2x12800xf32, #tpu.memory_space<vmem>>, vector<1x2x12800xf32>
    %get3A_11 = vector.shape_cast %get3A_10 : vector<1x2x12800xf32> to vector<2x12800xf32>
    %add3A = arith.addf %get3A_6, %get3A_11 : vector<2x12800xf32>
    %mul3A = vector.broadcast %get3A_1 : vector<1x12800xf32> to vector<2x12800xf32>
    %mul3A_12 = arith.mulf %mul3A, %add3A : vector<2x12800xf32>
    %mul3A_13 = arith.mulf %get3A_1, %get3A_1 : vector<1x12800xf32>
    %get3A_14 = arith.constant 0 : index
    %get3A_15 = arith.constant 0 : index
    %get3A_16 = vector.load %arg3[%get3A_14, %get3A_15] : memref<2x12800xf32, #tpu.memory_space<vmem>>, vector<2x12800xf32>
    %mul3A_17 = vector.broadcast %mul3A_13 : vector<1x12800xf32> to vector<2x12800xf32>
    %mul3A_18 = arith.mulf %mul3A_17, %get3A_16 : vector<2x12800xf32>
    %add3A_19 = arith.addf %mul3A_12, %mul3A_18 : vector<2x12800xf32>
    %get3A_20 = arith.constant 0 : index
    %get3A_21 = arith.constant 0 : index
    %get3A_22 = vector.load %arg4[%get3A_20, %get3A_21] : memref<2x1xf32, #tpu.memory_space<vmem>>, vector<2x1xf32>
    %add3A_23 = vector.broadcast %get3A_22 : vector<2x1xf32> to vector<2x12800xf32>
    %add3A_24 = arith.addf %add3A_19, %add3A_23 : vector<2x12800xf32>
    %reduce_max3A = arith.constant dense<0xFF800000> : vector<12800xf32>
    %reduce_max3A_25 = vector.multi_reduction <maximumf>, %add3A_24, %reduce_max3A [0] : vector<2x12800xf32> to vector<12800xf32>
    %broadcast_in_dim3A = vector.shape_cast %reduce_max3A_25 : vector<12800xf32> to vector<1x12800xf32>
    %slice3A = vector.extract_strided_slice %add3A_24 {offsets = [0, 0], sizes = [1, 12800], strides = [1, 1]} : vector<2x12800xf32> to vector<1x12800xf32>
    %sub3A = arith.subf %slice3A, %broadcast_in_dim3A : vector<1x12800xf32>
    %exp3A = math.exp %sub3A : vector<1x12800xf32>
    %slice3A_26 = vector.extract_strided_slice %add3A_24 {offsets = [1, 0], sizes = [1, 12800], strides = [1, 1]} : vector<2x12800xf32> to vector<1x12800xf32>
    %sub3A_27 = arith.subf %slice3A_26, %broadcast_in_dim3A : vector<1x12800xf32>
    %exp3A_28 = math.exp %sub3A_27 : vector<1x12800xf32>
    %add3A_29 = arith.addf %exp3A, %exp3A_28 : vector<1x12800xf32>
    %log3A = math.log %add3A_29 : vector<1x12800xf32>
    %add3A_30 = arith.addf %log3A, %broadcast_in_dim3A : vector<1x12800xf32>
    %sub3A_31 = vector.broadcast %add3A_30 : vector<1x12800xf32> to vector<2x12800xf32>
    %sub3A_32 = arith.subf %add3A_24, %sub3A_31 : vector<2x12800xf32>
    %swap3A = arith.constant 0 : index
    %swap3A_33 = arith.constant 0 : index
    %swap3A_34 = vector.load %arg5[%swap3A, %swap3A_33] : memref<2x12800xf32, #tpu.memory_space<vmem>>, vector<2x12800xf32>
    tpu.vector_store %arg5[%swap3A, %swap3A_33], %sub3A_32 {strides = array<i32>} : memref<2x12800xf32, #tpu.memory_space<vmem>>, vector<2x12800xf32>,
    return
  }
  func.func @transform_0(%arg0: i32) -> (i32, i32, i32) {
    %c0_i32 = arith.constant 0 : i32
    %c0_i32_0 = arith.constant 0 : i32
    %c0_i32_1 = arith.constant 0 : i32
    return %c0_i32, %c0_i32_0, %arg0 : i32, i32, i32
  }
  func.func @transform_1(%arg0: i32) -> (i32, i32) {
    %c0_i32 = arith.constant 0 : i32
    %c0_i32_0 = arith.constant 0 : i32
    return %c0_i32, %arg0 : i32, i32
  }
  func.func @transform_2(%arg0: i32) -> (i32, i32) {
    %c0_i32 = arith.constant 0 : i32
    %c0_i32_0 = arith.constant 0 : i32
    return %c0_i32, %arg0 : i32, i32
  }
  func.func @transform_3(%arg0: i32) -> (i32, i32) {
    %c0_i32 = arith.constant 0 : i32
    %c0_i32_0 = arith.constant 0 : i32
    %c0_i32_1 = arith.constant 0 : i32
    return %c0_i32, %c0_i32_0 : i32, i32
  }
  func.func @transform_4(%arg0: i32) -> (i32, i32) {
    %c0_i32 = arith.constant 0 : i32
    %c0_i32_0 = arith.constant 0 : i32
    return %c0_i32, %arg0 : i32, i32
  }
}

</mosaic_0001>

<sc_bundles>
// kernel: kernel.11.cloned.1.call-start
scs
__scs_entry_jumppad:
0x0: {  	(pc) =	sbr.rel $0x88, $3  }
0x1: {  	(tag) =	ssettag $0x0;
	lr =	simm.s32 $0x1  }
0x2: {  	[smem:$0x3F9B] =	sst lr;
	_ =	strace $0xD0000000  }
0x3: {  	_ = 	snop  }
0x4: {  	_ = 	snop  }
0x5: {  	_ = 	snop  }
0x6: {  	_ = 	snop  }
0x7: {  	_ = 	snop  }
__scs_overlays_trampoline_lowered:
0x8: {  	[smem:$0x3FAA] =	sst s0  }
0x9: {  	[smem:$0x3FAB] =	sst s1  }
0xa: {  	[smem:$0x3FAC] =	sst s2  }
0xb: {  	[smem:$0x3FAD] =	sst s3  }
0xc: {  	[smem:$0x3FAE] =	sst s4  }
0xd: {  	[smem:$0x3FAF] =	sst s5  }
0xe: {  	[smem:$0x3FB0] =	sst s6  }
0xf: {  	[smem:$0x3FB1] =	sst s7  }
0x10: {  	[smem:$0x3FB2] =	sst s8  }
0x11: {  	[smem:$0x3FB3] =	sst s9;
	s0 =	simm.s32 @!p0 $0x0  }
0x12: {  	s1 =	sld [smem:$0x3F99];
	s0 =	simm.s32 @p0 $0x1  }
0x13: {  	[smem:$0x3FB4] =	sst s0;
	s0 =	simm.s32 @!p1 $0x0  }
0x14: {  	s2 =	sld [smem:$0x3F98];
	s0 =	simm.s32 @p1 $0x1  }
0x15: {  	[smem:$0x3FB5] =	sst s0;
	s0 =	simm.s32 @!p2 $0x0  }
0x16: {  	s3 =	sld [smem:$0x3FDB];
	s0 =	simm.s32 @p2 $0x1  }
0x17: {  	s4 =	simm.s32 $0x1BF5;
	[smem:$0x3FB7] =	sst s0  }
0x18: {  	s0 =	sld [smem:$0x3F9A];
	_ =	swait.ge [sflag:s4], $0x0  }
0x19: {  	s7 =	sld [smem:$0x3F9B]  }
0x1a: {  	s8 =	sadd.s32 $0xFFFFE003, lr  }
0x1b: {  	s9 =	sadd.s32 $0xFFFFFEF7, lr;
	s5 =	simm.s32 $0xFFFFFFFF;
	p2 =	slt.u32 s8, $0xFFFFF086  }
0x1c: {  	p1 =	slt.u32 s9, $0xF7A;
	s5 =	simm.s32 @!p2 $0x0  }
0x1d: {  	s5 =	simm.s32 @p1 $0x1;
	p0 =	seq.s32 s7, s2  }
0x1e: {  	s7 =	smul.u32 @!p0 $0xF7A, s2;
	p2 =	seq.s32 @!p0 s5, $0x0  }
0x1f: {  	s9 =	smul.u32 $0xF7A, s1;
	s8 =	simm.s32 @!p0 $0x1BF5;
	p2 =	por !p2, p0  }
0x20: {  	[sflag:s8] =	ssyncset.s32 @!p0 $0xFFFFF086;
	s6 =	sadd.s32 @!p0 s3, s7;
	s7 =	simm.s32 @!p0 $0x108  }
0x21: {  	s3 =	sadd.s32 s3, s9;
	s6 =	sadd.s32 @!p0 $0x88, s6;
	s7 =	simm.s32 @p2 $0x1082  }
0x22: {  	[simem:s7], [sflag:s8] =	dma.local @!p0 [hbm:s6], $0xF7A  }
0x23: {  	s9 =	sor.u32 $0xD0000000, s2;
	s6 =	simm.s32 $0x108;
	_ =	swait.ge @!p0 [sflag:s8], $0x0  }
0x24: {  	s3 =	sadd.s32 $0x88, s3;
	s6 =	simm.s32 @!p1 $0x1082;
	[sflag:s4] =	ssyncset.s32 $0xFFFFF086  }
0x25: {  	[simem:s6], [sflag:s4] =	dma.local [hbm:s3], $0xF7A  }
0x26: {  	[smem:$0x3F9B] =	sst s1;
	(tag) =	ssettag s2;
	_ =	strace s9  }
0x27: {  	s1 =	sld [smem:$0x3FAB]  }
0x28: {  	s2 =	sld [smem:$0x3FAC]  }
0x29: {  	s4 =	sld [smem:$0x3FAE]  }
0x2a: {  	p0 =	seq.s32 s5, $0x0;
	s5 =	sld [smem:$0x3FAF]  }
0x2b: {  	s6 =	sld [smem:$0x3FB0]  }
0x2c: {  	s7 =	sld [smem:$0x3FB1]  }
0x2d: {  	s3 =	simm.s32 $0x108;
	s8 =	sld [smem:$0x3FB2]  }
0x2e: {  	s3 =	simm.s32 @!p0 $0x1082;
	s9 =	sld [smem:$0x3FB3]  }
0x2f: {  	lr =	sadd.s32 s0, s3;
	s0 =	sld [smem:$0x3FAA]  }
0x30: {  	s3 =	sld [smem:$0x3FAD]  }
0x31: {  	[smem:$0x3FB6] =	sst s10  }
0x32: {  	s10 =	sld [smem:$0x3FB4];
	_ =	sdelay $0x3  }
0x33: {  	p0 =	seq.s32 s10, $0x1;
	s10 =	sld [smem:$0x3FB6];
	_ =	sdelay $0x3  }
0x34: {  	[smem:$0x3FB6] =	sst s10  }
0x35: {  	s10 =	sld [smem:$0x3FB5];
	_ =	sdelay $0x3  }
0x36: {  	p1 =	seq.s32 s10, $0x1;
	s10 =	sld [smem:$0x3FB6];
	_ =	sdelay $0x3  }
0x37: {  	[smem:$0x3FB6] =	sst s10  }
0x38: {  	s10 =	sld [smem:$0x3FB7]  }
0x39: {  	_ = 	snop;
	(pc) =	sbr.ind lr, $3  }
0x3a: {  	_ = 	snop  }
0x3b: {  	_ = 	snop  }
0x3c: {  	p2 =	seq.s32 s10, $0x1;
	s10 =	sld [smem:$0x3FB6]  }
0x3d: {  	_ =	shalt  }
0x3e: {  	_ =	shalt  }
0x3f: {  	_ =	shalt  }
0x40: {  	_ =	shalt  }
0x41: {  	_ =	shalt  }
0x42: {  	_ =	shalt  }
0x43: {  	_ =	shalt  }
0x44: {  	_ =	shalt  }
0x45: {  	_ =	shalt  }
0x46: {  	_ =	shalt  }
0x47: {  	_ =	shalt  }
0x48: {  	_ =	shalt  }
0x49: {  	_ =	shalt  }
0x4a: {  	_ =	shalt  }
0x4b: {  	_ =	shalt  }
0x4c: {  	_ =	shalt  }
0x4d: {  	_ =	shalt  }
0x4e: {  	_ =	shalt  }
0x4f: {  	_ =	shalt  }
0x50: {  	_ =	shalt  }
0x51: {  	_ =	shalt  }
0x52: {  	_ =	shalt  }
0x53: {  	_ =	shalt  }
0x54: {  	_ =	shalt  }
0x55: {  	_ =	shalt  }
0x56: {  	_ =	shalt  }
0x57: {  	_ =	shalt  }
0x58: {  	_ =	shalt  }
0x59: {  	_ =	shalt  }
0x5a: {  	_ =	shalt  }
0x5b: {  	_ =	shalt  }
0x5c: {  	_ =	shalt  }
0x5d: {  	_ =	shalt  }
0x5e: {  	_ =	shalt  }
0x5f: {  	_ =	shalt  }
0x60: {  	_ =	shalt  }
0x61: {  	_ =	shalt  }
0x62: {  	_ =	shalt  }
0x63: {  	_ =	shalt  }
0x64: {  	_ =	shalt  }
0x65: {  	_ =	shalt  }
0x66: {  	_ =	shalt  }
0x67: {  	_ =	shalt  }
0x68: {  	_ =	shalt  }
0x69: {  	_ =	shalt  }
0x6a: {  	_ =	shalt  }
0x6b: {  	_ =	shalt  }
0x6c: {  	_ =	shalt  }
0x6d: {  	_ =	shalt  }
0x6e: {  	_ =	shalt  }
0x6f: {  	_ =	shalt  }
0x70: {  	_ =	shalt  }
0x71: {  	_ =	shalt  }
0x72: {  	_ =	shalt  }
0x73: {  	_ =	shalt  }
0x74: {  	_ =	shalt  }
0x75: {  	_ =	shalt  }
0x76: {  	_ =	shalt  }
0x77: {  	_ =	shalt  }
0x78: {  	_ =	shalt  }
0x79: {  	_ =	shalt  }
0x7a: {  	_ =	shalt  }
0x7b: {  	_ =	shalt  }
0x7c: {  	_ =	shalt  }
0x7d: {  	_ =	shalt  }
0x7e: {  	_ =	shalt  }
0x7f: {  	_ =	shalt  }
0x80: {  	_ =	shalt  }
0x81: {  	_ =	shalt  }
0x82: {  	_ =	shalt  }
0x83: {  	_ =	shalt  }
0x84: {  	_ =	shalt  }
0x85: {  	_ =	shalt  }
0x86: {  	_ =	shalt  }
0x87: {  	_ =	shalt  }
.Lfunc_end0:
.L_simem_size_0:
called_computation.2_lowered:
.L_overlay_start_0:
0x88: {  	s2 =	sld [smem:$0x3FD9]  }
0x89: {  	s3 =	sld [smem:$0x3FFE];
	_ =	sdelay $0x1  }
0x8a: {  	s1 =	srdreg.scid  }
0x8b: {  	s0 =	sand.u32 $0x1, s1  }
0x8c: {  	s17 =	sshll.u32 s0, $0xA;
	s2 =	sadd.s32 s3, s2  }
0x8d: {  	s2 =	sadd.s32 s2, s17  }
0x8e: {  	[smem:$0x3FC2] =	sst s2  }
0x8f: {  	_ = 	snop  }
0x90: {  	s2 =	sld [smem:$0x3FD0];
	(tm) =	ssettm $0x1  }
0x91: {  	s18 =	sld [smem:$0x3FFB];
	_ =	sdelay $0x3  }
0x92: {  	_ =	strace s18  }
0x93: {  	s3 =	sld [smem:$0x3FFC];
	_ =	sdelay $0x3  }
0x94: {  	_ =	strace s3  }
0x95: {  	s3 =	sld [smem:$0x3FFD];
	_ =	sdelay $0x3  }
0x96: {  	_ =	strace s3  }
0x97: {  	_ =	strace $0x8FFFFFFF  }
0x98: {  	s19 =	sld [smem:$0x3FDB];
	_ =	sdelay $0x1  }
0x99: {  	s4 =	simm.s32 $_scs_section_size  }
0x9a: {  	s5 =	simm.s32 $_size__tile_overlayer_lowered;
	s6 =	simm.s32 $_tile_overlayer_lowered  }
0x9b: {  	s22 =	simm.s32 $0x1BFF;
	s21 =	sshll.u32 s6, $0x1;
	s3 =	sadd.s32 s4, s19  }
0x9c: {  	s7 =	simm.s32 $0x0;
	s20 =	sshll.u32 s5, $0x1;
	s5 =	sadd.s32 s21, s3  }
0x9d: {  	[timem:s7], [sflag:s22] =	dma.local [hbm:s5], s20  }
0x9e: {  	_ =	swait.ge [sflag:s22], s20  }
0x9f: {  	s4 =	ssub.s32 $0x0, s20;
	[sflag:s22] =	ssyncset.done $0x0  }
0xa0: {  	[sflag:s22] =	ssyncadd.s32 s4;
	_ =	sdelay $0x1  }
0xa1: {  	s23 =	simm.s32 $0x1B8B  }
0xa2: {  	_ =	swait.ge [sflag:s23], $0x1  }
0xa3: {  	[sflag:s23] =	ssyncset.done $0x0  }
0xa4: {  	s25 =	simm.s32 $0x1B8E;
	s24 =	sld [smem:$0x3FFE];
	[sflag:s23] =	ssyncadd.s32 $0xFFFFFFFF  }
0xa5: {  	s26 =	simm.s32 $execute0_lowered;
	[smem:$0x3FD2] =	sst s25  }
0xa6: {  	s5 =	sshll.u32 s26, $0x1;
	_ =	strace $0x8000004C;
	[dreg:$0x1] =	wrdreg $0xFFFFFFFF  }
0xa7: {  	s28 =	simm.s32 $_size_execute0_lowered;
	s3 =	sadd.s32 s3, s5;
	[dreg:$0x0] =	wrdreg $0x0  }
0xa8: {  	s5 =	sshll.u32 s28, $0x1;
	[dreg:$0x2] =	wrdreg s3  }
0xa9: {  	[dreg:$0x3] =	wrdreg s5  }
0xaa: {  	[dreg:$0x4] =	wrdreg $0xC0  }
0xab: {  	_ =	task [dreg:s7], $0x5FFFF  }
0xac: {  	[dreg:$0x1] =	wrdreg $0xFFFFFFFF  }
0xad: {  	[dreg:$0x0] =	wrdreg $0x60  }
0xae: {  	[dreg:$0x2] =	wrdreg s24  }
0xaf: {  	[dreg:$0x3] =	wrdreg s2  }
0xb0: {  	[dreg:$0x4] =	wrdreg $0x0  }
0xb1: {  	[dreg:$0x5] =	wrdreg $0x19000  }
0xb2: {  	[dreg:$0x6] =	wrdreg $0x32000  }
0xb3: {  	[dreg:$0x7] =	wrdreg $0x4B000  }
0xb4: {  	[dreg:$0x8] =	wrdreg $0x9  }
0xb5: {  	_ =	task.clear_ibuf [dreg:s7], $0x9FFFF;
	_ =	strace $0x9000004C  }
0xb6: {  	s29 =	simm.s32 $0x9;
	_ =	strace $0x8000004E  }
0xb7: {  	_ =	swait.ge [sflag:s29], $0x1  }
0xb8: {  	[sflag:s29] =	ssyncadd.s32 $0xFFFFFFFF  }
0xb9: {  	_ =	strace $0x9000004E  }
0xba: {  	_ =	sfence  }
0xbb: {  	s30 =	sld [smem:$0x0];
	_ =	sdelay $0x2  }
0xbc: {  	s31 =	sshll.u32 s1, $0xD;
	s1 =	sshrl.u32 s1, $0x2  }
0xbd: {  	s3 =	sand.u32 $0x4000, s31;
	s1 =	sadd.s32 s1, s30  }
0xbe: {  	s0 =	sor.u32 s3, s0;
	s1 =	sshll.u32 s1, $0x11  }
0xbf: {  	s0 =	sor.u32 s1, s0  }
0xc0: {  	s0 =	sadd.s32 $0x8F2B, s0  }
0xc1: {  	[sflag:s0] =	ssyncadd.remote.s32 $0x1  }
0xc2: {  	_ =	sfence.sel $0xFFFF  }
0xc3: {  	[dreg:$0x0] =	wrdreg $0xFFFFFFFF;
	(pc) =	sbr.abs _section_cstart, $3  }
0xc4: {  	[dreg:$0x1] =	wrdreg $0xFFFFFFFF  }
0xc5: {  	_ =	task.clear_ibuf [dreg:s7], $0x2FFFF;
	_ =	strace $0x9FFFFFFF  }
0xc6: {  	(tm) =	ssettm $0x7FFFFFFF  }
0xc7: {  	_ =	shalt  }
tec
execute0_lowered:
.L_overlay_start_1:
0x0: {  	(tag) =	ssettag $0x1  }
0x1: {  	s0 =	rddreg [dreg:$0x0]  }
0x2: {  	s6 =	rddreg [dreg:$0x1]  }
0x3: {  	s1 =	rddreg [dreg:$0x2]  }
0x4: {  	s2 =	rddreg [dreg:$0x3]  }
0x5: {  	s3 =	rddreg [dreg:$0x4]  }
0x6: {  	s4 =	rddreg [dreg:$0x5];
	s5 =	simm.s32 $0x0;
	s7 =	srdreg.scid  }
0x7: {  	s19 =	stileid.u32;
	s28 =	simm.s32 $0xB220;
	s29 =	simm.s32 $0xD930  }
0x8: {  	s30 =	simm.s32 $0x10040;
	s31 =	simm.s32 $0x12750;
	[smem:$0x7FF] =	sst s5  }
0x9: {  	s8 =	sand.u32 $0x1, s7;
	s10 =	sadd.s32 $0x188400, s0;
	s13 =	smul.u32 $0x1900, s19  }
0xa: {  	s7 =	sadd.s32 $0x1A00, s0;
	s0 =	sadd.s32 $0x18E800, s0;
	s25 =	smul.u32 $0x30D40, s19  }
0xb: {  	s21 =	sshll.u32 s19, $0x6;
	_ =	strace $0x8000004D;
	s22 =	smul.u32 $0x32000, s8  }
0xc: {  	s9 =	ssub.s32 $0x2, s8;
	s18 =	sshll.u32 s8, $0x4;
	s8 =	smul.u32 $0x30D400, s8  }
0xd: {  	s11 =	sshrl.u32 s9, $0x1;
	s12 =	sor.u32 s19, s18;
	s14 =	sadd.s32 s13, s1  }
0xe: {  	s15 =	sshrl.u32 s13, $0x3;
	s16 =	sadd.s32 $0x19000, s13;
	s18 =	sadd.s32 s13, s2  }
0xf: {  	s23 =	sadd.s32 s13, s3;
	s26 =	sadd.s32 s13, s4;
	s11 =	ssub.s32 s9, s11  }
0x10: {  	s20 =	sadd.s32 s10, s15;
	s9 =	sor.u32 $0x1C07, s21;
	[dreg:$0xc] =	wrdreg s23  }
0x11: {  	s17 =	sshrl.u32 s16, $0x3;
	s12 =	smul.u32 $0x30D40, s12;
	[dreg:$0xf] =	wrdreg s26  }
0x12: {  	s6 =	sadd.s32 s6, s15;
	s13 =	sadd.s32 s13, s22;
	[dreg:$0xa] =	wrdreg s20  }
0x13: {  	s26 =	sshrl.u32 s18, $0x3;
	s10 =	sadd.s32 s10, s17;
	[dreg:$0xd] =	wrdreg s6  }
0x14: {  	s13 =	sshrl.u32 s13, $0x3;
	s6 =	sadd.s32 s25, s8;
	s23 =	smax.u32 s11, $0x1  }
0x15: {  	s25 =	sshrl.u32 s14, $0x3;
	[dreg:$0x16] =	wrdreg s26;
	s26 =	simm.s32 $0x2710  }
0x16: {  	s11 =	simm.s32 $0x5;
	s14 =	simm.s32 $0x4;
	[dreg:$0xb] =	wrdreg s10  }
0x17: {  	s24 =	sshrl.u32 s12, $0x3;
	s10 =	sadd.s32 s22, s16;
	s13 =	sadd.s32 s0, s13  }
0x18: {  	s16 =	sadd.s32 $0x61F620, s6;
	s19 =	sadd.s32 $0x2710, s6;
	[dreg:$0x13] =	wrdreg s23  }
0x19: {  	s20 =	sadd.s32 $0x61CF10, s6;
	s6 =	sadd.s32 $0x4E20, s6;
	[dreg:$0x15] =	wrdreg s25  }
0x1a: {  	s23 =	simm.s32 $0x6400;
	s25 =	simm.s32 $0x1;
	s12 =	sadd.s32 s7, s24  }
0x1b: {  	[dreg:$0x11] =	wrdreg s13;
	s15 =	sshrl.u32 s10, $0x3;
	s17 =	sshrl.u32 s16, $0x3  }
0x1c: {  	s8 =	sshrl.u32 s19, $0x3;
	s22 =	sshrl.u32 s20, $0x3;
	[dreg:$0x14] =	wrdreg s6  }
0x1d: {  	s6 =	simm.s32 $0x2;
	[dreg:$0xe] =	wrdreg s12;
	s12 =	sadd.s32 $0xC3500, s12  }
0x1e: {  	s10 =	simm.s32 $0x17570;
	s0 =	sadd.s32 s0, s15;
	[dreg:$0x10] =	wrdreg s12  }
0x1f: {  	s16 =	simm.s32 $0x0;
	s21 =	sadd.s32 s8, s7;
	[dreg:$0x12] =	wrdreg s0  }
0x20: {  	s24 =	sadd.s32 s22, s7;
	s8 =	simm.s32 $0x14E60;
	[dreg:$0x8] =	wrdreg s21  }
0x21: {  	s0 =	sadd.s32 s17, s7;
	[dreg:$0x9] =	wrdreg s24;
	s21 =	simm.s32 $0x7  }
0x22: {  	s24 =	simm.s32 $0x8B10;
	[dreg:$0x7] =	wrdreg s0;
	s0 =	simm.s32 $0x3  }
.LBB2_1:
0x23: {  	s12 =	rddreg [dreg:$0xa]  }
0x24: {  	s13 =	rddreg [dreg:$0x15]  }
0x25: {  	[spmem:s13], [sflag:s9] =	dma.local [hbm:s12], $0x320  }
0x26: {  	_ =	swait.ge [sflag:s21], $0x320  }
0x27: {  	[sflag:s21] =	ssyncset.done $0x0;
	s19 =	rddreg [dreg:$0xb]  }
0x28: {  	s20 =	rddreg [dreg:$0x16];
	[sflag:s21] =	ssyncadd.s32 $0xFFFFFCE0  }
0x29: {  	[spmem:s20], [sflag:s9] =	dma.local [hbm:s19], $0x320  }
0x2a: {  	_ =	swait.ge [sflag:s21], $0x320  }
0x2b: {  	s22 =	rddreg [dreg:$0xc]  }
0x2c: {  	[sflag:s21] =	ssyncset.done $0x0;
	s15 =	rddreg [dreg:$0xd];
	s12 =	sshrl.u32 s22, $0x3  }
0x2d: {  	[sflag:s21] =	ssyncadd.s32 $0xFFFFFCE0;
	[dreg:$0x17] =	wrdreg s12  }
0x2e: {  	[spmem:s12], [sflag:s9] =	dma.local [hbm:s15], $0x320  }
0x2f: {  	_ =	swait.ge [sflag:s21], $0x320  }
0x30: {  	s17 =	rddreg [dreg:$0xf]  }
0x31: {  	[sflag:s21] =	ssyncset.done $0x0;
	s13 =	sshrl.u32 s17, $0x3  }
0x32: {  	[sflag:s21] =	ssyncadd.s32 $0xFFFFFCE0;
	[dreg:$0x18] =	wrdreg s13  }
0x33: {  	[spmem:s13], [sflag:s9] =	dma.local [hbm:s15], $0x320  }
0x34: {  	_ =	swait.ge [sflag:s21], $0x320  }
0x35: {  	[sflag:s21] =	ssyncset.done $0x0  }
0x36: {  	[sflag:s21] =	ssyncadd.s32 $0xFFFFFCE0  }
0x37: {  	[bflag:$0x0] =	sbarrier.arrive $0xFFFF  }
0x38: {  	s18 =	rddreg [dreg:$0xe]  }
0x39: {  	[tilespmem:s23], [sflag:$0x1] =	stream.linear.gather [hbm4b:s18+s5], $0x2710, $0x38;
	[tilespmem:$0x19C80] =	vst v63  }
0x3a: {  	s19 =	rddreg [dreg:$0x10]  }
0x3b: {  	[tilespmem:s24], [sflag:$0x1] =	stream.linear.gather [hbm4b:s19+s5], $0x2710, $0x38;
	[tilespmem:$0x19C80] =	vst v63  }
0x3c: {  	_ =	swait.ge [sflag:s25], $0x2710  }
0x3d: {  	[sflag:s25] =	ssyncset.done $0x0  }
0x3e: {  	[sflag:s25] =	ssyncadd.s32 $0xFFFFD8F0  }
0x3f: {  	_ =	swait.ge [sflag:s25], $0x2710  }
0x40: {  	[sflag:s25] =	ssyncset.done $0x0  }
0x41: {  	p0 =	por $0x1, $0x1;
	[sflag:s25] =	ssyncadd.s32 $0xFFFFD8F0  }
0x42: {  	[tilespmem:s28], [sflag:$0x3] =	stream.indirect.gather [spmem:s1], $0x1, s23, s26, $0xb8;
	[tilespmem:$0x19C80] =	vst v63  }
0x43: {  	s18 =	simm.s32 @!p0 $0x6  }
0x44: {  	[tilespmem:s29], [sflag:$0x3] =	stream.indirect.gather [spmem:s2], $0x1, s23, s26, $0xb8;
	[tilespmem:$0x19C80] =	vst v63  }
0x45: {  	_ =	swait.ge @!p0 [sflag:s18], $0x2710  }
0x46: {  	[sflag:s18] =	ssyncset.done @!p0 $0x0  }
0x47: {  	[sflag:s18] =	ssyncadd.s32 @!p0 $0xFFFFD8F0  }
0x48: {  	_ =	swait.ge @!p0 [sflag:s18], $0x2710  }
0x49: {  	s19 =	rddreg [dreg:$0x8];
	[sflag:s18] =	ssyncset.done @!p0 $0x0  }
0x4a: {  	s22 =	rddreg [dreg:$0x9];
	[sflag:s18] =	ssyncadd.s32 @!p0 $0xFFFFD8F0;
	s20 =	sadd.s32 $0x0, s19  }
0x4b: {  	[tilespmem:s30], [sflag:$0x2] =	stream.linear.gather [hbm4b:s20+s5], $0x2710, $0x38;
	[tilespmem:$0x19C80] =	vst v63  }
0x4c: {  	s22 =	sadd.s32 $0x0, s22  }
0x4d: {  	[tilespmem:s31], [sflag:$0x2] =	stream.linear.gather [hbm4b:s22+s5], $0x2710, $0x38;
	[tilespmem:$0x19C80] =	vst v63  }
0x4e: {  	_ =	swait.ge [sflag:s0], $0x2710  }
0x4f: {  	[sflag:s0] =	ssyncset.done $0x0  }
0x50: {  	[sflag:s0] =	ssyncadd.s32 $0xFFFFD8F0  }
0x51: {  	_ =	swait.ge [sflag:s0], $0x2710  }
0x52: {  	[sflag:s0] =	ssyncset.done $0x0  }
0x53: {  	[sflag:s0] =	ssyncadd.s32 $0xFFFFD8F0  }
0x54: {  	[spmem:s3] =	stream.indirect.scatter.add.f32 [tilespmem:s28], [sflag:$0x5], $0x1, s24, s26, $0xb8;
	[tilespmem:$0x19C80] =	vst v63  }
0x55: {  	_ = 	snop  }
0x56: {  	[spmem:s4] =	stream.indirect.scatter.add.f32 [tilespmem:s29], [sflag:$0x5], $0x1, s24, s26, $0xb8;
	[tilespmem:$0x19C80] =	vst v63  }
0x57: {  	_ =	swait.ge [sflag:s6], $0x2710  }
0x58: {  	[sflag:s6] =	ssyncset.done $0x0  }
0x59: {  	[sflag:s6] =	ssyncadd.s32 $0xFFFFD8F0  }
0x5a: {  	_ =	swait.ge [sflag:s6], $0x2710  }
0x5b: {  	[sflag:s6] =	ssyncset.done $0x0  }
0x5c: {  	[sflag:s6] =	ssyncadd.s32 $0xFFFFD8F0  }
0x5d: {  	[tilespmem:s8], [sflag:$0x4] =	stream.indirect.gather [spmem:s1], $0x1, s30, s26, $0xb8;
	[tilespmem:$0x19C80] =	vst v63  }
0x5e: {  	_ = 	snop  }
0x5f: {  	[tilespmem:s10], [sflag:$0x4] =	stream.indirect.gather [spmem:s2], $0x1, s30, s26, $0xb8;
	[tilespmem:$0x19C80] =	vst v63  }
0x60: {  	_ =	swait.ge [sflag:s11], $0x2710  }
0x61: {  	[sflag:s11] =	ssyncset.done $0x0  }
0x62: {  	[sflag:s11] =	ssyncadd.s32 $0xFFFFD8F0  }
0x63: {  	p0 =	por $0x0, $0x0;
	_ =	swait.ge [sflag:s11], $0x2710  }
0x64: {  	s19 =	simm.s32 @!p0 $0x6400;
	s13 =	rddreg [dreg:$0x14]  }
0x65: {  	s12 =	simm.s32 @!p0 $0x0;
	[sflag:s11] =	ssyncset.done $0x0;
	s18 =	sshrl.u32 @!p0 s13, $0x3  }
0x66: {  	s22 =	rddreg [dreg:$0x7];
	[sflag:s11] =	ssyncadd.s32 $0xFFFFD8F0;
	s18 =	sadd.s32 @!p0 s7, s18  }
0x67: {  	[tilespmem:s19], [sflag:$0x1] =	stream.linear.gather @!p0 [hbm4b:s18+s12], $0x2710, $0x38;
	[tilespmem:$0x19C80] =	vst v63  }
0x68: {  	s18 =	simm.s32 @!p0 $0x8B10;
	s19 =	sadd.s32 @!p0 $0x0, s22  }
0x69: {  	[tilespmem:s18], [sflag:$0x1] =	stream.linear.gather @!p0 [hbm4b:s19+s12], $0x2710, $0x38;
	[tilespmem:$0x19C80] =	vst v63  }
0x6a: {  	_ =	swait.ge [sflag:s14], $0x2710  }
0x6b: {  	[sflag:s14] =	ssyncset.done $0x0  }
0x6c: {  	[sflag:s14] =	ssyncadd.s32 $0xFFFFD8F0  }
0x6d: {  	_ =	swait.ge [sflag:s14], $0x2710  }
0x6e: {  	[sflag:s14] =	ssyncset.done $0x0  }
0x6f: {  	s18 =	simm.s32 $0x9C4;
	s19 =	smov.u32 s13;
	[sflag:s14] =	ssyncadd.s32 $0xFFFFD8F0  }
0x70: {  	[spmem:s3] =	stream.indirect.scatter.add.f32 [tilespmem:s8], [sflag:$0x6], $0x1, s31, s26, $0xb8;
	[tilespmem:$0x19C80] =	vst v63  }
.LBB2_2:
0x71: {  	[spmem:s4] =	stream.indirect.scatter.add.f32 [tilespmem:s10], [sflag:$0x6], $0x1, s31, s26, $0xb8;
	[tilespmem:$0x19C80] =	vst v63  }
0x72: {  	_ =	swait.ge [sflag:s25], $0x2710  }
0x73: {  	[sflag:s25] =	ssyncset.done $0x0  }
0x74: {  	[sflag:s25] =	ssyncadd.s32 $0xFFFFD8F0  }
0x75: {  	_ =	swait.ge [sflag:s25], $0x2710  }
0x76: {  	s22 =	smov.u32 s18;
	[sflag:s25] =	ssyncset.done $0x0  }
0x77: {  	p1 =	seq.s32 s22, $0x0;
	[sflag:s25] =	ssyncadd.s32 $0xFFFFD8F0  }
0x78: {  	[tilespmem:s28], [sflag:$0x3] =	stream.indirect.gather [spmem:s1], $0x1, s23, s26, $0xb8;
	[tilespmem:$0x19C80] =	vst v63  }
0x79: {  	s12 =	simm.s32 @!p1 $0x6  }
0x7a: {  	[tilespmem:s29], [sflag:$0x3] =	stream.indirect.gather [spmem:s2], $0x1, s23, s26, $0xb8;
	[tilespmem:$0x19C80] =	vst v63  }
0x7b: {  	_ =	swait.ge @!p1 [sflag:s12], $0x2710  }
0x7c: {  	[sflag:s12] =	ssyncset.done @!p1 $0x0  }
0x7d: {  	[sflag:s12] =	ssyncadd.s32 @!p1 $0xFFFFD8F0  }
0x7e: {  	_ =	swait.ge @!p1 [sflag:s12], $0x2710  }
0x7f: {  	[sflag:s12] =	ssyncset.done @!p1 $0x0;
	s20 =	rddreg [dreg:$0x8]  }
0x80: {  	s17 =	rddreg [dreg:$0x9];
	[sflag:s12] =	ssyncadd.s32 @!p1 $0xFFFFD8F0;
	s20 =	sadd.s32 s22, s20  }
0x81: {  	[tilespmem:s30], [sflag:$0x2] =	stream.linear.gather [hbm4b:s20+s5], $0x2710, $0x38;
	[tilespmem:$0x19C80] =	vst v63  }
0x82: {  	s12 =	sadd.s32 s22, s17  }
0x83: {  	[tilespmem:s31], [sflag:$0x2] =	stream.linear.gather [hbm4b:s12+s5], $0x2710, $0x38;
	[tilespmem:$0x19C80] =	vst v63  }
0x84: {  	_ =	swait.ge [sflag:s0], $0x2710  }
0x85: {  	[sflag:s0] =	ssyncset.done $0x0  }
0x86: {  	[sflag:s0] =	ssyncadd.s32 $0xFFFFD8F0  }
0x87: {  	_ =	swait.ge [sflag:s0], $0x2710  }
0x88: {  	[sflag:s0] =	ssyncset.done $0x0  }
0x89: {  	[sflag:s0] =	ssyncadd.s32 $0xFFFFD8F0  }
0x8a: {  	[spmem:s3] =	stream.indirect.scatter.add.f32 [tilespmem:s28], [sflag:$0x5], $0x1, s24, s26, $0xb8;
	[tilespmem:$0x19C80] =	vst v63  }
0x8b: {  	_ = 	snop  }
0x8c: {  	[spmem:s4] =	stream.indirect.scatter.add.f32 [tilespmem:s29], [sflag:$0x5], $0x1, s24, s26, $0xb8;
	[tilespmem:$0x19C80] =	vst v63  }
0x8d: {  	_ =	swait.ge [sflag:s6], $0x2710  }
0x8e: {  	[sflag:s6] =	ssyncset.done $0x0  }
0x8f: {  	[sflag:s6] =	ssyncadd.s32 $0xFFFFD8F0  }
0x90: {  	_ =	swait.ge [sflag:s6], $0x2710  }
0x91: {  	[sflag:s6] =	ssyncset.done $0x0  }
0x92: {  	[sflag:s6] =	ssyncadd.s32 $0xFFFFD8F0  }
0x93: {  	[tilespmem:s8], [sflag:$0x4] =	stream.indirect.gather [spmem:s1], $0x1, s30, s26, $0xb8;
	[tilespmem:$0x19C80] =	vst v63  }
0x94: {  	_ = 	snop  }
0x95: {  	[tilespmem:s10], [sflag:$0x4] =	stream.indirect.gather [spmem:s2], $0x1, s30, s26, $0xb8;
	[tilespmem:$0x19C80] =	vst v63  }
0x96: {  	_ =	swait.ge [sflag:s11], $0x2710  }
0x97: {  	[sflag:s11] =	ssyncset.done $0x0  }
0x98: {  	p1 =	seq.s32 s22, $0x57E4;
	[sflag:s11] =	ssyncadd.s32 $0xFFFFD8F0  }
0x99: {  	s19 =	sadd.s32 $0x4E20, s19;
	s20 =	simm.s32 @!p1 $0x6400;
	_ =	swait.ge [sflag:s11], $0x2710  }
0x9a: {  	s13 =	simm.s32 @!p1 $0x0;
	s12 =	sshrl.u32 @!p1 s19, $0x3;
	[sflag:s11] =	ssyncset.done $0x0  }
0x9b: {  	s12 =	sadd.s32 @!p1 s7, s12;
	s15 =	rddreg [dreg:$0x7];
	[sflag:s11] =	ssyncadd.s32 $0xFFFFD8F0  }
0x9c: {  	[tilespmem:s20], [sflag:$0x1] =	stream.linear.gather @!p1 [hbm4b:s12+s13], $0x2710, $0x38;
	[tilespmem:$0x19C80] =	vst v63  }
0x9d: {  	s17 =	simm.s32 @!p1 $0x8B10;
	s12 =	sadd.s32 @!p1 s22, s15  }
0x9e: {  	[tilespmem:s17], [sflag:$0x1] =	stream.linear.gather @!p1 [hbm4b:s12+s13], $0x2710, $0x38;
	[tilespmem:$0x19C80] =	vst v63  }
0x9f: {  	s18 =	sadd.s32 $0x9C4, s18;
	_ =	swait.ge [sflag:s14], $0x2710  }
0xa0: {  	p0 =	sne.s32 s18, $0x61A8;
	[sflag:s14] =	ssyncset.done $0x0  }
.Ltmp0:
0xa1: {  	[sflag:s14] =	ssyncadd.s32 $0xFFFFD8F0;
	(pc) =	sbr.rel @p0 .LBB2_2-.Ltmp0, $4  }
0xa2: {  	_ =	swait.ge [sflag:s14], $0x2710  }
0xa3: {  	[sflag:s14] =	ssyncset.done $0x0  }
0xa4: {  	[sflag:s14] =	ssyncadd.s32 $0xFFFFD8F0  }
0xa5: {  	[spmem:s3] =	stream.indirect.scatter.add.f32 [tilespmem:s8], [sflag:$0x6], $0x1, s31, s26, $0xb8;
	[tilespmem:$0x19C80] =	vst v63  }
0xa6: {  	[spmem:s4] =	stream.indirect.scatter.add.f32 [tilespmem:s10], [sflag:$0x6], $0x1, s31, s26, $0xb8;
	[tilespmem:$0x19C80] =	vst v63  }
0xa7: {  	s12 =	simm.s32 $0x6  }
0xa8: {  	_ =	swait.ge [sflag:s12], $0x2710  }
0xa9: {  	[sflag:s12] =	ssyncset.done $0x0  }
0xaa: {  	[sflag:s12] =	ssyncadd.s32 $0xFFFFD8F0  }
0xab: {  	_ =	swait.ge [sflag:s12], $0x2710  }
0xac: {  	[sflag:s12] =	ssyncset.done $0x0  }
0xad: {  	[sflag:s12] =	ssyncadd.s32 $0xFFFFD8F0  }
0xae: {  	[bflag:$0x0] =	sbarrier.arrive $0xFFFF  }
0xaf: {  	s18 =	rddreg [dreg:$0x11]  }
0xb0: {  	s13 =	rddreg [dreg:$0x17]  }
0xb1: {  	[hbm:s18], [sflag:s9] =	dma.local [spmem:s13], $0x320  }
0xb2: {  	_ =	swait.ge [sflag:s21], $0x320  }
0xb3: {  	[sflag:s21] =	ssyncset.done $0x0;
	s19 =	rddreg [dreg:$0x12]  }
0xb4: {  	s20 =	rddreg [dreg:$0x18];
	[sflag:s21] =	ssyncadd.s32 $0xFFFFFCE0  }
0xb5: {  	[hbm:s19], [sflag:s9] =	dma.local [spmem:s20], $0x320  }
0xb6: {  	_ =	swait.ge [sflag:s21], $0x320  }
0xb7: {  	s16 =	sadd.s32 $0x1, s16;
	s22 =	rddreg [dreg:$0x13]  }
0xb8: {  	p0 =	sne.s32 s16, s22  }
.Ltmp1:
0xb9: {  	_ = 	snop;
	(pc) =	sbr.rel @p0 .LBB2_1-.Ltmp1, $3  }
0xba: {  	_ =	sdelay $0x1  }
0xbb: {  	[sflag:s21] =	ssyncset.done $0x0  }
0xbc: {  	[sflag:s21] =	ssyncadd.s32 $0xFFFFFCE0  }
0xbd: {  	_ =	sfence.sel $0x180000  }
0xbe: {  	[bflag:$0x0] =	sbarrier.arrive $0xFFFF  }
0xbf: {  	_ =	strace $0x9000004D  }
0xc0: {  	s0 =	stileid.u32;
	[bflag:$0x2] =	sbarrier.arrive $0xFFFF  }
0xc1: {  	p0 =	sne.s32 s0, $0x0;
	s0 =	rddreg [dreg:$0x6]  }
0xc2: {  	s0 =	sadd.s32 @!p0 $0x100000, s0  }
0xc3: {  	[sflag:s0] =	ssyncadd.tile.s32 @!p0 $0x1;
	_ =	shalt  }
.Lfunc_end2:
_tile_overlayer_lowered:
.L_overlay_start_2:
0xc4: {  	(tag) =	ssettag $0x2  }
0xc5: {  	s0 =	rddreg [dreg:$0x0];
	s2 =	stileid.u32  }
0xc6: {  	s1 =	rddreg [dreg:$0x1];
	p0 =	sne.s32 s2, $0x0  }
0xc7: {  	s3 =	rddreg [dreg:$0x2];
	[bflag:$0x3] =	sbarrier.arrive $0xFFFF;
	s2 =	simm.s32 @!p0 $0x1C07  }
0xc8: {  	[timem:s3], [sflag:s2] =	dma.local @!p0 [hbm:s0], s1  }
0xc9: {  	s0 =	simm.s32 @!p0 $0x7  }
0xca: {  	_ =	swait.ge @!p0 [sflag:s0], s1  }
0xcb: {  	s1 =	ssub.s32 @!p0 $0x0, s1;
	[sflag:s0] =	ssyncset.done @!p0 $0x0  }
0xcc: {  	[sflag:s0] =	ssyncadd.s32 @!p0 s1  }
0xcd: {  	[bflag:$0x3] =	sbarrier.arrive $0xFFFF  }
0xce: {  	_ =	shalt  }

// kernel: kernel.14.cloned.1.call-start
scs
__scs_entry_jumppad:
0x0: {  	(pc) =	sbr.rel $0x88, $3  }
0x1: {  	(tag) =	ssettag $0x0;
	lr =	simm.s32 $0x1  }
0x2: {  	[smem:$0x3F9B] =	sst lr;
	_ =	strace $0xD0000000  }
0x3: {  	_ = 	snop  }
0x4: {  	_ = 	snop  }
0x5: {  	_ = 	snop  }
0x6: {  	_ = 	snop  }
0x7: {  	_ = 	snop  }
__scs_overlays_trampoline_lowered:
0x8: {  	[smem:$0x3FAA] =	sst s0  }
0x9: {  	[smem:$0x3FAB] =	sst s1  }
0xa: {  	[smem:$0x3FAC] =	sst s2  }
0xb: {  	[smem:$0x3FAD] =	sst s3  }
0xc: {  	[smem:$0x3FAE] =	sst s4  }
0xd: {  	[smem:$0x3FAF] =	sst s5  }
0xe: {  	[smem:$0x3FB0] =	sst s6  }
0xf: {  	[smem:$0x3FB1] =	sst s7  }
0x10: {  	[smem:$0x3FB2] =	sst s8  }
0x11: {  	[smem:$0x3FB3] =	sst s9;
	s0 =	simm.s32 @!p0 $0x0  }
0x12: {  	s1 =	sld [smem:$0x3F99];
	s0 =	simm.s32 @p0 $0x1  }
0x13: {  	[smem:$0x3FB4] =	sst s0;
	s0 =	simm.s32 @!p1 $0x0  }
0x14: {  	s2 =	sld [smem:$0x3F98];
	s0 =	simm.s32 @p1 $0x1  }
0x15: {  	[smem:$0x3FB5] =	sst s0;
	s0 =	simm.s32 @!p2 $0x0  }
0x16: {  	s3 =	sld [smem:$0x3FDB];
	s0 =	simm.s32 @p2 $0x1  }
0x17: {  	s4 =	simm.s32 $0x1BF5;
	[smem:$0x3FB7] =	sst s0  }
0x18: {  	s0 =	sld [smem:$0x3F9A];
	_ =	swait.ge [sflag:s4], $0x0  }
0x19: {  	s7 =	sld [smem:$0x3F9B]  }
0x1a: {  	s8 =	sadd.s32 $0xFFFFE003, lr  }
0x1b: {  	s9 =	sadd.s32 $0xFFFFFEF7, lr;
	s5 =	simm.s32 $0xFFFFFFFF;
	p2 =	slt.u32 s8, $0xFFFFF086  }
0x1c: {  	p1 =	slt.u32 s9, $0xF7A;
	s5 =	simm.s32 @!p2 $0x0  }
0x1d: {  	s5 =	simm.s32 @p1 $0x1;
	p0 =	seq.s32 s7, s2  }
0x1e: {  	s7 =	smul.u32 @!p0 $0xF7A, s2;
	p2 =	seq.s32 @!p0 s5, $0x0  }
0x1f: {  	s9 =	smul.u32 $0xF7A, s1;
	s8 =	simm.s32 @!p0 $0x1BF5;
	p2 =	por !p2, p0  }
0x20: {  	[sflag:s8] =	ssyncset.s32 @!p0 $0xFFFFF086;
	s6 =	sadd.s32 @!p0 s3, s7;
	s7 =	simm.s32 @!p0 $0x108  }
0x21: {  	s3 =	sadd.s32 s3, s9;
	s6 =	sadd.s32 @!p0 $0x88, s6;
	s7 =	simm.s32 @p2 $0x1082  }
0x22: {  	[simem:s7], [sflag:s8] =	dma.local @!p0 [hbm:s6], $0xF7A  }
0x23: {  	s9 =	sor.u32 $0xD0000000, s2;
	s6 =	simm.s32 $0x108;
	_ =	swait.ge @!p0 [sflag:s8], $0x0  }
0x24: {  	s3 =	sadd.s32 $0x88, s3;
	s6 =	simm.s32 @!p1 $0x1082;
	[sflag:s4] =	ssyncset.s32 $0xFFFFF086  }
0x25: {  	[simem:s6], [sflag:s4] =	dma.local [hbm:s3], $0xF7A  }
0x26: {  	[smem:$0x3F9B] =	sst s1;
	(tag) =	ssettag s2;
	_ =	strace s9  }
0x27: {  	s1 =	sld [smem:$0x3FAB]  }
0x28: {  	s2 =	sld [smem:$0x3FAC]  }
0x29: {  	s4 =	sld [smem:$0x3FAE]  }
0x2a: {  	p0 =	seq.s32 s5, $0x0;
	s5 =	sld [smem:$0x3FAF]  }
0x2b: {  	s6 =	sld [smem:$0x3FB0]  }
0x2c: {  	s7 =	sld [smem:$0x3FB1]  }
0x2d: {  	s3 =	simm.s32 $0x108;
	s8 =	sld [smem:$0x3FB2]  }
0x2e: {  	s3 =	simm.s32 @!p0 $0x1082;
	s9 =	sld [smem:$0x3FB3]  }
0x2f: {  	lr =	sadd.s32 s0, s3;
	s0 =	sld [smem:$0x3FAA]  }
0x30: {  	s3 =	sld [smem:$0x3FAD]  }
0x31: {  	[smem:$0x3FB6] =	sst s10  }
0x32: {  	s10 =	sld [smem:$0x3FB4];
	_ =	sdelay $0x3  }
0x33: {  	p0 =	seq.s32 s10, $0x1;
	s10 =	sld [smem:$0x3FB6];
	_ =	sdelay $0x3  }
0x34: {  	[smem:$0x3FB6] =	sst s10  }
0x35: {  	s10 =	sld [smem:$0x3FB5];
	_ =	sdelay $0x3  }
0x36: {  	p1 =	seq.s32 s10, $0x1;
	s10 =	sld [smem:$0x3FB6];
	_ =	sdelay $0x3  }
0x37: {  	[smem:$0x3FB6] =	sst s10  }
0x38: {  	s10 =	sld [smem:$0x3FB7]  }
0x39: {  	_ = 	snop;
	(pc) =	sbr.ind lr, $3  }
0x3a: {  	_ = 	snop  }
0x3b: {  	_ = 	snop  }
0x3c: {  	p2 =	seq.s32 s10, $0x1;
	s10 =	sld [smem:$0x3FB6]  }
0x3d: {  	_ =	shalt  }
0x3e: {  	_ =	shalt  }
0x3f: {  	_ =	shalt  }
0x40: {  	_ =	shalt  }
0x41: {  	_ =	shalt  }
0x42: {  	_ =	shalt  }
0x43: {  	_ =	shalt  }
0x44: {  	_ =	shalt  }
0x45: {  	_ =	shalt  }
0x46: {  	_ =	shalt  }
0x47: {  	_ =	shalt  }
0x48: {  	_ =	shalt  }
0x49: {  	_ =	shalt  }
0x4a: {  	_ =	shalt  }
0x4b: {  	_ =	shalt  }
0x4c: {  	_ =	shalt  }
0x4d: {  	_ =	shalt  }
0x4e: {  	_ =	shalt  }
0x4f: {  	_ =	shalt  }
0x50: {  	_ =	shalt  }
0x51: {  	_ =	shalt  }
0x52: {  	_ =	shalt  }
0x53: {  	_ =	shalt  }
0x54: {  	_ =	shalt  }
0x55: {  	_ =	shalt  }
0x56: {  	_ =	shalt  }
0x57: {  	_ =	shalt  }
0x58: {  	_ =	shalt  }
0x59: {  	_ =	shalt  }
0x5a: {  	_ =	shalt  }
0x5b: {  	_ =	shalt  }
0x5c: {  	_ =	shalt  }
0x5d: {  	_ =	shalt  }
0x5e: {  	_ =	shalt  }
0x5f: {  	_ =	shalt  }
0x60: {  	_ =	shalt  }
0x61: {  	_ =	shalt  }
0x62: {  	_ =	shalt  }
0x63: {  	_ =	shalt  }
0x64: {  	_ =	shalt  }
0x65: {  	_ =	shalt  }
0x66: {  	_ =	shalt  }
0x67: {  	_ =	shalt  }
0x68: {  	_ =	shalt  }
0x69: {  	_ =	shalt  }
0x6a: {  	_ =	shalt  }
0x6b: {  	_ =	shalt  }
0x6c: {  	_ =	shalt  }
0x6d: {  	_ =	shalt  }
0x6e: {  	_ =	shalt  }
0x6f: {  	_ =	shalt  }
0x70: {  	_ =	shalt  }
0x71: {  	_ =	shalt  }
0x72: {  	_ =	shalt  }
0x73: {  	_ =	shalt  }
0x74: {  	_ =	shalt  }
0x75: {  	_ =	shalt  }
0x76: {  	_ =	shalt  }
0x77: {  	_ =	shalt  }
0x78: {  	_ =	shalt  }
0x79: {  	_ =	shalt  }
0x7a: {  	_ =	shalt  }
0x7b: {  	_ =	shalt  }
0x7c: {  	_ =	shalt  }
0x7d: {  	_ =	shalt  }
0x7e: {  	_ =	shalt  }
0x7f: {  	_ =	shalt  }
0x80: {  	_ =	shalt  }
0x81: {  	_ =	shalt  }
0x82: {  	_ =	shalt  }
0x83: {  	_ =	shalt  }
0x84: {  	_ =	shalt  }
0x85: {  	_ =	shalt  }
0x86: {  	_ =	shalt  }
0x87: {  	_ =	shalt  }
.Lfunc_end0:
.L_simem_size_0:
called_computation.3_lowered:
.L_overlay_start_0:
0x88: {  	s2 =	sld [smem:$0x3FD9]  }
0x89: {  	s3 =	sld [smem:$0x3FFE];
	_ =	sdelay $0x1  }
0x8a: {  	s1 =	srdreg.scid  }
0x8b: {  	s0 =	sand.u32 $0x1, s1  }
0x8c: {  	s17 =	sshll.u32 s0, $0xA;
	s2 =	sadd.s32 s3, s2  }
0x8d: {  	s2 =	sadd.s32 s2, s17  }
0x8e: {  	[smem:$0x3FC2] =	sst s2  }
0x8f: {  	_ = 	snop  }
0x90: {  	s2 =	sld [smem:$0x3FD0];
	(tm) =	ssettm $0x1  }
0x91: {  	s18 =	sld [smem:$0x3FFB];
	_ =	sdelay $0x3  }
0x92: {  	_ =	strace s18  }
0x93: {  	s3 =	sld [smem:$0x3FFC];
	_ =	sdelay $0x3  }
0x94: {  	_ =	strace s3  }
0x95: {  	s3 =	sld [smem:$0x3FFD];
	_ =	sdelay $0x3  }
0x96: {  	_ =	strace s3  }
0x97: {  	_ =	strace $0x8FFFFFFF  }
0x98: {  	s19 =	sld [smem:$0x3FDB];
	_ =	sdelay $0x1  }
0x99: {  	s4 =	simm.s32 $_scs_section_size  }
0x9a: {  	s5 =	simm.s32 $_size__tile_overlayer_lowered;
	s6 =	simm.s32 $_tile_overlayer_lowered  }
0x9b: {  	s22 =	simm.s32 $0x1BFF;
	s21 =	sshll.u32 s6, $0x1;
	s3 =	sadd.s32 s4, s19  }
0x9c: {  	s7 =	simm.s32 $0x0;
	s20 =	sshll.u32 s5, $0x1;
	s5 =	sadd.s32 s21, s3  }
0x9d: {  	[timem:s7], [sflag:s22] =	dma.local [hbm:s5], s20  }
0x9e: {  	_ =	swait.ge [sflag:s22], s20  }
0x9f: {  	s4 =	ssub.s32 $0x0, s20;
	[sflag:s22] =	ssyncset.done $0x0  }
0xa0: {  	[sflag:s22] =	ssyncadd.s32 s4;
	_ =	sdelay $0x1  }
0xa1: {  	s23 =	simm.s32 $0x1B8B  }
0xa2: {  	_ =	swait.ge [sflag:s23], $0x1  }
0xa3: {  	[sflag:s23] =	ssyncset.done $0x0  }
0xa4: {  	s25 =	simm.s32 $0x1B8E;
	s24 =	sld [smem:$0x3FFE];
	[sflag:s23] =	ssyncadd.s32 $0xFFFFFFFF  }
0xa5: {  	s26 =	simm.s32 $execute0_lowered;
	[smem:$0x3FD2] =	sst s25  }
0xa6: {  	s5 =	sshll.u32 s26, $0x1;
	_ =	strace $0x8000004F;
	[dreg:$0x1] =	wrdreg $0xFFFFFFFF  }
0xa7: {  	s28 =	simm.s32 $_size_execute0_lowered;
	s3 =	sadd.s32 s3, s5;
	[dreg:$0x0] =	wrdreg $0x0  }
0xa8: {  	s5 =	sshll.u32 s28, $0x1;
	[dreg:$0x2] =	wrdreg s3  }
0xa9: {  	[dreg:$0x3] =	wrdreg s5  }
0xaa: {  	[dreg:$0x4] =	wrdreg $0xC0  }
0xab: {  	_ =	task [dreg:s7], $0x5FFFF  }
0xac: {  	[dreg:$0x1] =	wrdreg $0xFFFFFFFF  }
0xad: {  	[dreg:$0x0] =	wrdreg $0x60  }
0xae: {  	[dreg:$0x2] =	wrdreg s24  }
0xaf: {  	[dreg:$0x3] =	wrdreg s2  }
0xb0: {  	[dreg:$0x4] =	wrdreg $0x0  }
0xb1: {  	[dreg:$0x5] =	wrdreg $0x19000  }
0xb2: {  	[dreg:$0x6] =	wrdreg $0x32000  }
0xb3: {  	[dreg:$0x7] =	wrdreg $0x4B000  }
0xb4: {  	[dreg:$0x8] =	wrdreg $0x9  }
0xb5: {  	_ =	task.clear_ibuf [dreg:s7], $0x9FFFF;
	_ =	strace $0x9000004F  }
0xb6: {  	s29 =	simm.s32 $0x9;
	_ =	strace $0x80000051  }
0xb7: {  	_ =	swait.ge [sflag:s29], $0x1  }
0xb8: {  	[sflag:s29] =	ssyncadd.s32 $0xFFFFFFFF  }
0xb9: {  	_ =	strace $0x90000051  }
0xba: {  	_ =	sfence  }
0xbb: {  	s30 =	sld [smem:$0x0];
	_ =	sdelay $0x2  }
0xbc: {  	s31 =	sshll.u32 s1, $0xD;
	s1 =	sshrl.u32 s1, $0x2  }
0xbd: {  	s3 =	sand.u32 $0x4000, s31;
	s1 =	sadd.s32 s1, s30  }
0xbe: {  	s0 =	sor.u32 s3, s0;
	s1 =	sshll.u32 s1, $0x11  }
0xbf: {  	s0 =	sor.u32 s1, s0  }
0xc0: {  	s0 =	sadd.s32 $0x8F2B, s0  }
0xc1: {  	[sflag:s0] =	ssyncadd.remote.s32 $0x1  }
0xc2: {  	_ =	sfence.sel $0xFFFF  }
0xc3: {  	[dreg:$0x0] =	wrdreg $0xFFFFFFFF;
	(pc) =	sbr.abs _section_cstart, $3  }
0xc4: {  	[dreg:$0x1] =	wrdreg $0xFFFFFFFF  }
0xc5: {  	_ =	task.clear_ibuf [dreg:s7], $0x2FFFF;
	_ =	strace $0x9FFFFFFF  }
0xc6: {  	(tm) =	ssettm $0x7FFFFFFF  }
0xc7: {  	_ =	shalt  }
tec
execute0_lowered:
.L_overlay_start_1:
0x0: {  	(tag) =	ssettag $0x1  }
0x1: {  	s0 =	rddreg [dreg:$0x0]  }
0x2: {  	s6 =	rddreg [dreg:$0x1]  }
0x3: {  	s1 =	rddreg [dreg:$0x2]  }
0x4: {  	s2 =	rddreg [dreg:$0x3]  }
0x5: {  	s3 =	rddreg [dreg:$0x4]  }
0x6: {  	s4 =	rddreg [dreg:$0x5];
	s5 =	simm.s32 $0x0;
	s7 =	srdreg.scid  }
0x7: {  	s19 =	stileid.u32;
	s28 =	simm.s32 $0xB220;
	s29 =	simm.s32 $0xD930  }
0x8: {  	s30 =	simm.s32 $0x10040;
	s31 =	simm.s32 $0x12750;
	[smem:$0x7FF] =	sst s5  }
0x9: {  	s8 =	sand.u32 $0x1, s7;
	s10 =	sadd.s32 $0x188400, s0;
	s13 =	smul.u32 $0x1900, s19  }
0xa: {  	s7 =	sadd.s32 $0x1A00, s0;
	s0 =	sadd.s32 $0x18E800, s0;
	s25 =	smul.u32 $0x30D40, s19  }
0xb: {  	s21 =	sshll.u32 s19, $0x6;
	_ =	strace $0x80000050;
	s22 =	smul.u32 $0x32000, s8  }
0xc: {  	s9 =	ssub.s32 $0x2, s8;
	s18 =	sshll.u32 s8, $0x4;
	s8 =	smul.u32 $0x30D400, s8  }
0xd: {  	s11 =	sshrl.u32 s9, $0x1;
	s12 =	sor.u32 s19, s18;
	s14 =	sadd.s32 s13, s1  }
0xe: {  	s15 =	sshrl.u32 s13, $0x3;
	s16 =	sadd.s32 $0x19000, s13;
	s18 =	sadd.s32 s13, s2  }
0xf: {  	s23 =	sadd.s32 s13, s3;
	s26 =	sadd.s32 s13, s4;
	s11 =	ssub.s32 s9, s11  }
0x10: {  	s20 =	sadd.s32 s10, s15;
	s9 =	sor.u32 $0x1C07, s21;
	[dreg:$0xc] =	wrdreg s23  }
0x11: {  	s17 =	sshrl.u32 s16, $0x3;
	s12 =	smul.u32 $0x30D40, s12;
	[dreg:$0xf] =	wrdreg s26  }
0x12: {  	s6 =	sadd.s32 s6, s15;
	s13 =	sadd.s32 s13, s22;
	[dreg:$0xa] =	wrdreg s20  }
0x13: {  	s26 =	sshrl.u32 s18, $0x3;
	s10 =	sadd.s32 s10, s17;
	[dreg:$0xd] =	wrdreg s6  }
0x14: {  	s13 =	sshrl.u32 s13, $0x3;
	s6 =	sadd.s32 s25, s8;
	s23 =	smax.u32 s11, $0x1  }
0x15: {  	s25 =	sshrl.u32 s14, $0x3;
	[dreg:$0x16] =	wrdreg s26;
	s26 =	simm.s32 $0x2710  }
0x16: {  	s11 =	simm.s32 $0x5;
	s14 =	simm.s32 $0x4;
	[dreg:$0xb] =	wrdreg s10  }
0x17: {  	s24 =	sshrl.u32 s12, $0x3;
	s10 =	sadd.s32 s22, s16;
	s13 =	sadd.s32 s0, s13  }
0x18: {  	s16 =	sadd.s32 $0x61F620, s6;
	s19 =	sadd.s32 $0x2710, s6;
	[dreg:$0x13] =	wrdreg s23  }
0x19: {  	s20 =	sadd.s32 $0x61CF10, s6;
	s6 =	sadd.s32 $0x4E20, s6;
	[dreg:$0x15] =	wrdreg s25  }
0x1a: {  	s23 =	simm.s32 $0x6400;
	s25 =	simm.s32 $0x1;
	s12 =	sadd.s32 s7, s24  }
0x1b: {  	[dreg:$0x11] =	wrdreg s13;
	s15 =	sshrl.u32 s10, $0x3;
	s17 =	sshrl.u32 s16, $0x3  }
0x1c: {  	s8 =	sshrl.u32 s19, $0x3;
	s22 =	sshrl.u32 s20, $0x3;
	[dreg:$0x14] =	wrdreg s6  }
0x1d: {  	s6 =	simm.s32 $0x2;
	[dreg:$0xe] =	wrdreg s12;
	s12 =	sadd.s32 $0xC3500, s12  }
0x1e: {  	s10 =	simm.s32 $0x17570;
	s0 =	sadd.s32 s0, s15;
	[dreg:$0x10] =	wrdreg s12  }
0x1f: {  	s16 =	simm.s32 $0x0;
	s21 =	sadd.s32 s8, s7;
	[dreg:$0x12] =	wrdreg s0  }
0x20: {  	s24 =	sadd.s32 s22, s7;
	s8 =	simm.s32 $0x14E60;
	[dreg:$0x8] =	wrdreg s21  }
0x21: {  	s0 =	sadd.s32 s17, s7;
	[dreg:$0x9] =	wrdreg s24;
	s21 =	simm.s32 $0x7  }
0x22: {  	s24 =	simm.s32 $0x8B10;
	[dreg:$0x7] =	wrdreg s0;
	s0 =	simm.s32 $0x3  }
.LBB2_1:
0x23: {  	s12 =	rddreg [dreg:$0xa]  }
0x24: {  	s13 =	rddreg [dreg:$0x15]  }
0x25: {  	[spmem:s13], [sflag:s9] =	dma.local [hbm:s12], $0x320  }
0x26: {  	_ =	swait.ge [sflag:s21], $0x320  }
0x27: {  	[sflag:s21] =	ssyncset.done $0x0;
	s19 =	rddreg [dreg:$0xb]  }
0x28: {  	s20 =	rddreg [dreg:$0x16];
	[sflag:s21] =	ssyncadd.s32 $0xFFFFFCE0  }
0x29: {  	[spmem:s20], [sflag:s9] =	dma.local [hbm:s19], $0x320  }
0x2a: {  	_ =	swait.ge [sflag:s21], $0x320  }
0x2b: {  	s22 =	rddreg [dreg:$0xc]  }
0x2c: {  	[sflag:s21] =	ssyncset.done $0x0;
	s15 =	rddreg [dreg:$0xd];
	s12 =	sshrl.u32 s22, $0x3  }
0x2d: {  	[sflag:s21] =	ssyncadd.s32 $0xFFFFFCE0;
	[dreg:$0x17] =	wrdreg s12  }
0x2e: {  	[spmem:s12], [sflag:s9] =	dma.local [hbm:s15], $0x320  }
0x2f: {  	_ =	swait.ge [sflag:s21], $0x320  }
0x30: {  	s17 =	rddreg [dreg:$0xf]  }
0x31: {  	[sflag:s21] =	ssyncset.done $0x0;
	s13 =	sshrl.u32 s17, $0x3  }
0x32: {  	[sflag:s21] =	ssyncadd.s32 $0xFFFFFCE0;
	[dreg:$0x18] =	wrdreg s13  }
0x33: {  	[spmem:s13], [sflag:s9] =	dma.local [hbm:s15], $0x320  }
0x34: {  	_ =	swait.ge [sflag:s21], $0x320  }
0x35: {  	[sflag:s21] =	ssyncset.done $0x0  }
0x36: {  	[sflag:s21] =	ssyncadd.s32 $0xFFFFFCE0  }
0x37: {  	[bflag:$0x0] =	sbarrier.arrive $0xFFFF  }
0x38: {  	s18 =	rddreg [dreg:$0xe]  }
0x39: {  	[tilespmem:s23], [sflag:$0x1] =	stream.linear.gather [hbm4b:s18+s5], $0x2710, $0x38;
	[tilespmem:$0x19C80] =	vst v63  }
0x3a: {  	s19 =	rddreg [dreg:$0x10]  }
0x3b: {  	[tilespmem:s24], [sflag:$0x1] =	stream.linear.gather [hbm4b:s19+s5], $0x2710, $0x38;
	[tilespmem:$0x19C80] =	vst v63  }
0x3c: {  	_ =	swait.ge [sflag:s25], $0x2710  }
0x3d: {  	[sflag:s25] =	ssyncset.done $0x0  }
0x3e: {  	[sflag:s25] =	ssyncadd.s32 $0xFFFFD8F0  }
0x3f: {  	_ =	swait.ge [sflag:s25], $0x2710  }
0x40: {  	[sflag:s25] =	ssyncset.done $0x0  }
0x41: {  	p0 =	por $0x1, $0x1;
	[sflag:s25] =	ssyncadd.s32 $0xFFFFD8F0  }
0x42: {  	[tilespmem:s28], [sflag:$0x3] =	stream.indirect.gather [spmem:s1], $0x1, s23, s26, $0xb8;
	[tilespmem:$0x19C80] =	vst v63  }
0x43: {  	s18 =	simm.s32 @!p0 $0x6  }
0x44: {  	[tilespmem:s29], [sflag:$0x3] =	stream.indirect.gather [spmem:s2], $0x1, s23, s26, $0xb8;
	[tilespmem:$0x19C80] =	vst v63  }
0x45: {  	_ =	swait.ge @!p0 [sflag:s18], $0x2710  }
0x46: {  	[sflag:s18] =	ssyncset.done @!p0 $0x0  }
0x47: {  	[sflag:s18] =	ssyncadd.s32 @!p0 $0xFFFFD8F0  }
0x48: {  	_ =	swait.ge @!p0 [sflag:s18], $0x2710  }
0x49: {  	s19 =	rddreg [dreg:$0x8];
	[sflag:s18] =	ssyncset.done @!p0 $0x0  }
0x4a: {  	s22 =	rddreg [dreg:$0x9];
	[sflag:s18] =	ssyncadd.s32 @!p0 $0xFFFFD8F0;
	s20 =	sadd.s32 $0x0, s19  }
0x4b: {  	[tilespmem:s30], [sflag:$0x2] =	stream.linear.gather [hbm4b:s20+s5], $0x2710, $0x38;
	[tilespmem:$0x19C80] =	vst v63  }
0x4c: {  	s22 =	sadd.s32 $0x0, s22  }
0x4d: {  	[tilespmem:s31], [sflag:$0x2] =	stream.linear.gather [hbm4b:s22+s5], $0x2710, $0x38;
	[tilespmem:$0x19C80] =	vst v63  }
0x4e: {  	_ =	swait.ge [sflag:s0], $0x2710  }
0x4f: {  	[sflag:s0] =	ssyncset.done $0x0  }
0x50: {  	[sflag:s0] =	ssyncadd.s32 $0xFFFFD8F0  }
0x51: {  	_ =	swait.ge [sflag:s0], $0x2710  }
0x52: {  	[sflag:s0] =	ssyncset.done $0x0  }
0x53: {  	[sflag:s0] =	ssyncadd.s32 $0xFFFFD8F0  }
0x54: {  	[spmem:s3] =	stream.indirect.scatter.add.f32 [tilespmem:s28], [sflag:$0x5], $0x1, s24, s26, $0xb8;
	[tilespmem:$0x19C80] =	vst v63  }
0x55: {  	_ = 	snop  }
0x56: {  	[spmem:s4] =	stream.indirect.scatter.add.f32 [tilespmem:s29], [sflag:$0x5], $0x1, s24, s26, $0xb8;
	[tilespmem:$0x19C80] =	vst v63  }
0x57: {  	_ =	swait.ge [sflag:s6], $0x2710  }
0x58: {  	[sflag:s6] =	ssyncset.done $0x0  }
0x59: {  	[sflag:s6] =	ssyncadd.s32 $0xFFFFD8F0  }
0x5a: {  	_ =	swait.ge [sflag:s6], $0x2710  }
0x5b: {  	[sflag:s6] =	ssyncset.done $0x0  }
0x5c: {  	[sflag:s6] =	ssyncadd.s32 $0xFFFFD8F0  }
0x5d: {  	[tilespmem:s8], [sflag:$0x4] =	stream.indirect.gather [spmem:s1], $0x1, s30, s26, $0xb8;
	[tilespmem:$0x19C80] =	vst v63  }
0x5e: {  	_ = 	snop  }
0x5f: {  	[tilespmem:s10], [sflag:$0x4] =	stream.indirect.gather [spmem:s2], $0x1, s30, s26, $0xb8;
	[tilespmem:$0x19C80] =	vst v63  }
0x60: {  	_ =	swait.ge [sflag:s11], $0x2710  }
0x61: {  	[sflag:s11] =	ssyncset.done $0x0  }
0x62: {  	[sflag:s11] =	ssyncadd.s32 $0xFFFFD8F0  }
0x63: {  	p0 =	por $0x0, $0x0;
	_ =	swait.ge [sflag:s11], $0x2710  }
0x64: {  	s19 =	simm.s32 @!p0 $0x6400;
	s13 =	rddreg [dreg:$0x14]  }
0x65: {  	s12 =	simm.s32 @!p0 $0x0;
	[sflag:s11] =	ssyncset.done $0x0;
	s18 =	sshrl.u32 @!p0 s13, $0x3  }
0x66: {  	s22 =	rddreg [dreg:$0x7];
	[sflag:s11] =	ssyncadd.s32 $0xFFFFD8F0;
	s18 =	sadd.s32 @!p0 s7, s18  }
0x67: {  	[tilespmem:s19], [sflag:$0x1] =	stream.linear.gather @!p0 [hbm4b:s18+s12], $0x2710, $0x38;
	[tilespmem:$0x19C80] =	vst v63  }
0x68: {  	s18 =	simm.s32 @!p0 $0x8B10;
	s19 =	sadd.s32 @!p0 $0x0, s22  }
0x69: {  	[tilespmem:s18], [sflag:$0x1] =	stream.linear.gather @!p0 [hbm4b:s19+s12], $0x2710, $0x38;
	[tilespmem:$0x19C80] =	vst v63  }
0x6a: {  	_ =	swait.ge [sflag:s14], $0x2710  }
0x6b: {  	[sflag:s14] =	ssyncset.done $0x0  }
0x6c: {  	[sflag:s14] =	ssyncadd.s32 $0xFFFFD8F0  }
0x6d: {  	_ =	swait.ge [sflag:s14], $0x2710  }
0x6e: {  	[sflag:s14] =	ssyncset.done $0x0  }
0x6f: {  	s18 =	simm.s32 $0x9C4;
	s19 =	smov.u32 s13;
	[sflag:s14] =	ssyncadd.s32 $0xFFFFD8F0  }
0x70: {  	[spmem:s3] =	stream.indirect.scatter.add.f32 [tilespmem:s8], [sflag:$0x6], $0x1, s31, s26, $0xb8;
	[tilespmem:$0x19C80] =	vst v63  }
.LBB2_2:
0x71: {  	[spmem:s4] =	stream.indirect.scatter.add.f32 [tilespmem:s10], [sflag:$0x6], $0x1, s31, s26, $0xb8;
	[tilespmem:$0x19C80] =	vst v63  }
0x72: {  	_ =	swait.ge [sflag:s25], $0x2710  }
0x73: {  	[sflag:s25] =	ssyncset.done $0x0  }
0x74: {  	[sflag:s25] =	ssyncadd.s32 $0xFFFFD8F0  }
0x75: {  	_ =	swait.ge [sflag:s25], $0x2710  }
0x76: {  	s22 =	smov.u32 s18;
	[sflag:s25] =	ssyncset.done $0x0  }
0x77: {  	p1 =	seq.s32 s22, $0x0;
	[sflag:s25] =	ssyncadd.s32 $0xFFFFD8F0  }
0x78: {  	[tilespmem:s28], [sflag:$0x3] =	stream.indirect.gather [spmem:s1], $0x1, s23, s26, $0xb8;
	[tilespmem:$0x19C80] =	vst v63  }
0x79: {  	s12 =	simm.s32 @!p1 $0x6  }
0x7a: {  	[tilespmem:s29], [sflag:$0x3] =	stream.indirect.gather [spmem:s2], $0x1, s23, s26, $0xb8;
	[tilespmem:$0x19C80] =	vst v63  }
0x7b: {  	_ =	swait.ge @!p1 [sflag:s12], $0x2710  }
0x7c: {  	[sflag:s12] =	ssyncset.done @!p1 $0x0  }
0x7d: {  	[sflag:s12] =	ssyncadd.s32 @!p1 $0xFFFFD8F0  }
0x7e: {  	_ =	swait.ge @!p1 [sflag:s12], $0x2710  }
0x7f: {  	[sflag:s12] =	ssyncset.done @!p1 $0x0;
	s20 =	rddreg [dreg:$0x8]  }
0x80: {  	s17 =	rddreg [dreg:$0x9];
	[sflag:s12] =	ssyncadd.s32 @!p1 $0xFFFFD8F0;
	s20 =	sadd.s32 s22, s20  }
0x81: {  	[tilespmem:s30], [sflag:$0x2] =	stream.linear.gather [hbm4b:s20+s5], $0x2710, $0x38;
	[tilespmem:$0x19C80] =	vst v63  }
0x82: {  	s12 =	sadd.s32 s22, s17  }
0x83: {  	[tilespmem:s31], [sflag:$0x2] =	stream.linear.gather [hbm4b:s12+s5], $0x2710, $0x38;
	[tilespmem:$0x19C80] =	vst v63  }
0x84: {  	_ =	swait.ge [sflag:s0], $0x2710  }
0x85: {  	[sflag:s0] =	ssyncset.done $0x0  }
0x86: {  	[sflag:s0] =	ssyncadd.s32 $0xFFFFD8F0  }
0x87: {  	_ =	swait.ge [sflag:s0], $0x2710  }
0x88: {  	[sflag:s0] =	ssyncset.done $0x0  }
0x89: {  	[sflag:s0] =	ssyncadd.s32 $0xFFFFD8F0  }
0x8a: {  	[spmem:s3] =	stream.indirect.scatter.add.f32 [tilespmem:s28], [sflag:$0x5], $0x1, s24, s26, $0xb8;
	[tilespmem:$0x19C80] =	vst v63  }
0x8b: {  	_ = 	snop  }
0x8c: {  	[spmem:s4] =	stream.indirect.scatter.add.f32 [tilespmem:s29], [sflag:$0x5], $0x1, s24, s26, $0xb8;
	[tilespmem:$0x19C80] =	vst v63  }
0x8d: {  	_ =	swait.ge [sflag:s6], $0x2710  }
0x8e: {  	[sflag:s6] =	ssyncset.done $0x0  }
0x8f: {  	[sflag:s6] =	ssyncadd.s32 $0xFFFFD8F0  }
0x90: {  	_ =	swait.ge [sflag:s6], $0x2710  }
0x91: {  	[sflag:s6] =	ssyncset.done $0x0  }
0x92: {  	[sflag:s6] =	ssyncadd.s32 $0xFFFFD8F0  }
0x93: {  	[tilespmem:s8], [sflag:$0x4] =	stream.indirect.gather [spmem:s1], $0x1, s30, s26, $0xb8;
	[tilespmem:$0x19C80] =	vst v63  }
0x94: {  	_ = 	snop  }
0x95: {  	[tilespmem:s10], [sflag:$0x4] =	stream.indirect.gather [spmem:s2], $0x1, s30, s26, $0xb8;
	[tilespmem:$0x19C80] =	vst v63  }
0x96: {  	_ =	swait.ge [sflag:s11], $0x2710  }
0x97: {  	[sflag:s11] =	ssyncset.done $0x0  }
0x98: {  	p1 =	seq.s32 s22, $0x57E4;
	[sflag:s11] =	ssyncadd.s32 $0xFFFFD8F0  }
0x99: {  	s19 =	sadd.s32 $0x4E20, s19;
	s20 =	simm.s32 @!p1 $0x6400;
	_ =	swait.ge [sflag:s11], $0x2710  }
0x9a: {  	s13 =	simm.s32 @!p1 $0x0;
	s12 =	sshrl.u32 @!p1 s19, $0x3;
	[sflag:s11] =	ssyncset.done $0x0  }
0x9b: {  	s12 =	sadd.s32 @!p1 s7, s12;
	s15 =	rddreg [dreg:$0x7];
	[sflag:s11] =	ssyncadd.s32 $0xFFFFD8F0  }
0x9c: {  	[tilespmem:s20], [sflag:$0x1] =	stream.linear.gather @!p1 [hbm4b:s12+s13], $0x2710, $0x38;
	[tilespmem:$0x19C80] =	vst v63  }
0x9d: {  	s17 =	simm.s32 @!p1 $0x8B10;
	s12 =	sadd.s32 @!p1 s22, s15  }
0x9e: {  	[tilespmem:s17], [sflag:$0x1] =	stream.linear.gather @!p1 [hbm4b:s12+s13], $0x2710, $0x38;
	[tilespmem:$0x19C80] =	vst v63  }
0x9f: {  	s18 =	sadd.s32 $0x9C4, s18;
	_ =	swait.ge [sflag:s14], $0x2710  }
0xa0: {  	p0 =	sne.s32 s18, $0x61A8;
	[sflag:s14] =	ssyncset.done $0x0  }
.Ltmp0:
0xa1: {  	[sflag:s14] =	ssyncadd.s32 $0xFFFFD8F0;
	(pc) =	sbr.rel @p0 .LBB2_2-.Ltmp0, $4  }
0xa2: {  	_ =	swait.ge [sflag:s14], $0x2710  }
0xa3: {  	[sflag:s14] =	ssyncset.done $0x0  }
0xa4: {  	[sflag:s14] =	ssyncadd.s32 $0xFFFFD8F0  }
0xa5: {  	[spmem:s3] =	stream.indirect.scatter.add.f32 [tilespmem:s8], [sflag:$0x6], $0x1, s31, s26, $0xb8;
	[tilespmem:$0x19C80] =	vst v63  }
0xa6: {  	[spmem:s4] =	stream.indirect.scatter.add.f32 [tilespmem:s10], [sflag:$0x6], $0x1, s31, s26, $0xb8;
	[tilespmem:$0x19C80] =	vst v63  }
0xa7: {  	s12 =	simm.s32 $0x6  }
0xa8: {  	_ =	swait.ge [sflag:s12], $0x2710  }
0xa9: {  	[sflag:s12] =	ssyncset.done $0x0  }
0xaa: {  	[sflag:s12] =	ssyncadd.s32 $0xFFFFD8F0  }
0xab: {  	_ =	swait.ge [sflag:s12], $0x2710  }
0xac: {  	[sflag:s12] =	ssyncset.done $0x0  }
0xad: {  	[sflag:s12] =	ssyncadd.s32 $0xFFFFD8F0  }
0xae: {  	[bflag:$0x0] =	sbarrier.arrive $0xFFFF  }
0xaf: {  	s18 =	rddreg [dreg:$0x11]  }
0xb0: {  	s13 =	rddreg [dreg:$0x17]  }
0xb1: {  	[hbm:s18], [sflag:s9] =	dma.local [spmem:s13], $0x320  }
0xb2: {  	_ =	swait.ge [sflag:s21], $0x320  }
0xb3: {  	[sflag:s21] =	ssyncset.done $0x0;
	s19 =	rddreg [dreg:$0x12]  }
0xb4: {  	s20 =	rddreg [dreg:$0x18];
	[sflag:s21] =	ssyncadd.s32 $0xFFFFFCE0  }
0xb5: {  	[hbm:s19], [sflag:s9] =	dma.local [spmem:s20], $0x320  }
0xb6: {  	_ =	swait.ge [sflag:s21], $0x320  }
0xb7: {  	s16 =	sadd.s32 $0x1, s16;
	s22 =	rddreg [dreg:$0x13]  }
0xb8: {  	p0 =	sne.s32 s16, s22  }
.Ltmp1:
0xb9: {  	_ = 	snop;
	(pc) =	sbr.rel @p0 .LBB2_1-.Ltmp1, $3  }
0xba: {  	_ =	sdelay $0x1  }
0xbb: {  	[sflag:s21] =	ssyncset.done $0x0  }
0xbc: {  	[sflag:s21] =	ssyncadd.s32 $0xFFFFFCE0  }
0xbd: {  	_ =	sfence.sel $0x180000  }
0xbe: {  	[bflag:$0x0] =	sbarrier.arrive $0xFFFF  }
0xbf: {  	_ =	strace $0x90000050  }
0xc0: {  	s0 =	stileid.u32;
	[bflag:$0x2] =	sbarrier.arrive $0xFFFF  }
0xc1: {  	p0 =	sne.s32 s0, $0x0;
	s0 =	rddreg [dreg:$0x6]  }
0xc2: {  	s0 =	sadd.s32 @!p0 $0x100000, s0  }
0xc3: {  	[sflag:s0] =	ssyncadd.tile.s32 @!p0 $0x1;
	_ =	shalt  }
.Lfunc_end2:
_tile_overlayer_lowered:
.L_overlay_start_2:
0xc4: {  	(tag) =	ssettag $0x2  }
0xc5: {  	s0 =	rddreg [dreg:$0x0];
	s2 =	stileid.u32  }
0xc6: {  	s1 =	rddreg [dreg:$0x1];
	p0 =	sne.s32 s2, $0x0  }
0xc7: {  	s3 =	rddreg [dreg:$0x2];
	[bflag:$0x3] =	sbarrier.arrive $0xFFFF;
	s2 =	simm.s32 @!p0 $0x1C07  }
0xc8: {  	[timem:s3], [sflag:s2] =	dma.local @!p0 [hbm:s0], s1  }
0xc9: {  	s0 =	simm.s32 @!p0 $0x7  }
0xca: {  	_ =	swait.ge @!p0 [sflag:s0], s1  }
0xcb: {  	s1 =	ssub.s32 @!p0 $0x0, s1;
	[sflag:s0] =	ssyncset.done @!p0 $0x0  }
0xcc: {  	[sflag:s0] =	ssyncadd.s32 @!p0 s1  }
0xcd: {  	[bflag:$0x3] =	sbarrier.arrive $0xFFFF  }
0xce: {  	_ =	shalt  }

// kernel: kernel.8.cloned.1.call-start
scs
__scs_entry_jumppad:
0x0: {  	(pc) =	sbr.rel $0x88, $3  }
0x1: {  	(tag) =	ssettag $0x0;
	lr =	simm.s32 $0x1  }
0x2: {  	[smem:$0x3F9B] =	sst lr;
	_ =	strace $0xD0000000  }
0x3: {  	_ = 	snop  }
0x4: {  	_ = 	snop  }
0x5: {  	_ = 	snop  }
0x6: {  	_ = 	snop  }
0x7: {  	_ = 	snop  }
__scs_overlays_trampoline_lowered:
0x8: {  	[smem:$0x3FAA] =	sst s0  }
0x9: {  	[smem:$0x3FAB] =	sst s1  }
0xa: {  	[smem:$0x3FAC] =	sst s2  }
0xb: {  	[smem:$0x3FAD] =	sst s3  }
0xc: {  	[smem:$0x3FAE] =	sst s4  }
0xd: {  	[smem:$0x3FAF] =	sst s5  }
0xe: {  	[smem:$0x3FB0] =	sst s6  }
0xf: {  	[smem:$0x3FB1] =	sst s7  }
0x10: {  	[smem:$0x3FB2] =	sst s8  }
0x11: {  	[smem:$0x3FB3] =	sst s9;
	s0 =	simm.s32 @!p0 $0x0  }
0x12: {  	s1 =	sld [smem:$0x3F99];
	s0 =	simm.s32 @p0 $0x1  }
0x13: {  	[smem:$0x3FB4] =	sst s0;
	s0 =	simm.s32 @!p1 $0x0  }
0x14: {  	s2 =	sld [smem:$0x3F98];
	s0 =	simm.s32 @p1 $0x1  }
0x15: {  	[smem:$0x3FB5] =	sst s0;
	s0 =	simm.s32 @!p2 $0x0  }
0x16: {  	s3 =	sld [smem:$0x3FDB];
	s0 =	simm.s32 @p2 $0x1  }
0x17: {  	s4 =	simm.s32 $0x1BF5;
	[smem:$0x3FB7] =	sst s0  }
0x18: {  	s0 =	sld [smem:$0x3F9A];
	_ =	swait.ge [sflag:s4], $0x0  }
0x19: {  	s7 =	sld [smem:$0x3F9B]  }
0x1a: {  	s8 =	sadd.s32 $0xFFFFE003, lr  }
0x1b: {  	s9 =	sadd.s32 $0xFFFFFEF7, lr;
	s5 =	simm.s32 $0xFFFFFFFF;
	p2 =	slt.u32 s8, $0xFFFFF086  }
0x1c: {  	p1 =	slt.u32 s9, $0xF7A;
	s5 =	simm.s32 @!p2 $0x0  }
0x1d: {  	s5 =	simm.s32 @p1 $0x1;
	p0 =	seq.s32 s7, s2  }
0x1e: {  	s7 =	smul.u32 @!p0 $0xF7A, s2;
	p2 =	seq.s32 @!p0 s5, $0x0  }
0x1f: {  	s9 =	smul.u32 $0xF7A, s1;
	s8 =	simm.s32 @!p0 $0x1BF5;
	p2 =	por !p2, p0  }
0x20: {  	[sflag:s8] =	ssyncset.s32 @!p0 $0xFFFFF086;
	s6 =	sadd.s32 @!p0 s3, s7;
	s7 =	simm.s32 @!p0 $0x108  }
0x21: {  	s3 =	sadd.s32 s3, s9;
	s6 =	sadd.s32 @!p0 $0x88, s6;
	s7 =	simm.s32 @p2 $0x1082  }
0x22: {  	[simem:s7], [sflag:s8] =	dma.local @!p0 [hbm:s6], $0xF7A  }
0x23: {  	s9 =	sor.u32 $0xD0000000, s2;
	s6 =	simm.s32 $0x108;
	_ =	swait.ge @!p0 [sflag:s8], $0x0  }
0x24: {  	s3 =	sadd.s32 $0x88, s3;
	s6 =	simm.s32 @!p1 $0x1082;
	[sflag:s4] =	ssyncset.s32 $0xFFFFF086  }
0x25: {  	[simem:s6], [sflag:s4] =	dma.local [hbm:s3], $0xF7A  }
0x26: {  	[smem:$0x3F9B] =	sst s1;
	(tag) =	ssettag s2;
	_ =	strace s9  }
0x27: {  	s1 =	sld [smem:$0x3FAB]  }
0x28: {  	s2 =	sld [smem:$0x3FAC]  }
0x29: {  	s4 =	sld [smem:$0x3FAE]  }
0x2a: {  	p0 =	seq.s32 s5, $0x0;
	s5 =	sld [smem:$0x3FAF]  }
0x2b: {  	s6 =	sld [smem:$0x3FB0]  }
0x2c: {  	s7 =	sld [smem:$0x3FB1]  }
0x2d: {  	s3 =	simm.s32 $0x108;
	s8 =	sld [smem:$0x3FB2]  }
0x2e: {  	s3 =	simm.s32 @!p0 $0x1082;
	s9 =	sld [smem:$0x3FB3]  }
0x2f: {  	lr =	sadd.s32 s0, s3;
	s0 =	sld [smem:$0x3FAA]  }
0x30: {  	s3 =	sld [smem:$0x3FAD]  }
0x31: {  	[smem:$0x3FB6] =	sst s10  }
0x32: {  	s10 =	sld [smem:$0x3FB4];
	_ =	sdelay $0x3  }
0x33: {  	p0 =	seq.s32 s10, $0x1;
	s10 =	sld [smem:$0x3FB6];
	_ =	sdelay $0x3  }
0x34: {  	[smem:$0x3FB6] =	sst s10  }
0x35: {  	s10 =	sld [smem:$0x3FB5];
	_ =	sdelay $0x3  }
0x36: {  	p1 =	seq.s32 s10, $0x1;
	s10 =	sld [smem:$0x3FB6];
	_ =	sdelay $0x3  }
0x37: {  	[smem:$0x3FB6] =	sst s10  }
0x38: {  	s10 =	sld [smem:$0x3FB7]  }
0x39: {  	_ = 	snop;
	(pc) =	sbr.ind lr, $3  }
0x3a: {  	_ = 	snop  }
0x3b: {  	_ = 	snop  }
0x3c: {  	p2 =	seq.s32 s10, $0x1;
	s10 =	sld [smem:$0x3FB6]  }
0x3d: {  	_ =	shalt  }
0x3e: {  	_ =	shalt  }
0x3f: {  	_ =	shalt  }
0x40: {  	_ =	shalt  }
0x41: {  	_ =	shalt  }
0x42: {  	_ =	shalt  }
0x43: {  	_ =	shalt  }
0x44: {  	_ =	shalt  }
0x45: {  	_ =	shalt  }
0x46: {  	_ =	shalt  }
0x47: {  	_ =	shalt  }
0x48: {  	_ =	shalt  }
0x49: {  	_ =	shalt  }
0x4a: {  	_ =	shalt  }
0x4b: {  	_ =	shalt  }
0x4c: {  	_ =	shalt  }
0x4d: {  	_ =	shalt  }
0x4e: {  	_ =	shalt  }
0x4f: {  	_ =	shalt  }
0x50: {  	_ =	shalt  }
0x51: {  	_ =	shalt  }
0x52: {  	_ =	shalt  }
0x53: {  	_ =	shalt  }
0x54: {  	_ =	shalt  }
0x55: {  	_ =	shalt  }
0x56: {  	_ =	shalt  }
0x57: {  	_ =	shalt  }
0x58: {  	_ =	shalt  }
0x59: {  	_ =	shalt  }
0x5a: {  	_ =	shalt  }
0x5b: {  	_ =	shalt  }
0x5c: {  	_ =	shalt  }
0x5d: {  	_ =	shalt  }
0x5e: {  	_ =	shalt  }
0x5f: {  	_ =	shalt  }
0x60: {  	_ =	shalt  }
0x61: {  	_ =	shalt  }
0x62: {  	_ =	shalt  }
0x63: {  	_ =	shalt  }
0x64: {  	_ =	shalt  }
0x65: {  	_ =	shalt  }
0x66: {  	_ =	shalt  }
0x67: {  	_ =	shalt  }
0x68: {  	_ =	shalt  }
0x69: {  	_ =	shalt  }
0x6a: {  	_ =	shalt  }
0x6b: {  	_ =	shalt  }
0x6c: {  	_ =	shalt  }
0x6d: {  	_ =	shalt  }
0x6e: {  	_ =	shalt  }
0x6f: {  	_ =	shalt  }
0x70: {  	_ =	shalt  }
0x71: {  	_ =	shalt  }
0x72: {  	_ =	shalt  }
0x73: {  	_ =	shalt  }
0x74: {  	_ =	shalt  }
0x75: {  	_ =	shalt  }
0x76: {  	_ =	shalt  }
0x77: {  	_ =	shalt  }
0x78: {  	_ =	shalt  }
0x79: {  	_ =	shalt  }
0x7a: {  	_ =	shalt  }
0x7b: {  	_ =	shalt  }
0x7c: {  	_ =	shalt  }
0x7d: {  	_ =	shalt  }
0x7e: {  	_ =	shalt  }
0x7f: {  	_ =	shalt  }
0x80: {  	_ =	shalt  }
0x81: {  	_ =	shalt  }
0x82: {  	_ =	shalt  }
0x83: {  	_ =	shalt  }
0x84: {  	_ =	shalt  }
0x85: {  	_ =	shalt  }
0x86: {  	_ =	shalt  }
0x87: {  	_ =	shalt  }
.Lfunc_end0:
.L_simem_size_0:
called_computation.1_lowered:
.L_overlay_start_0:
0x88: {  	s2 =	sld [smem:$0x3FD9]  }
0x89: {  	s3 =	sld [smem:$0x3FFE];
	_ =	sdelay $0x1  }
0x8a: {  	s1 =	srdreg.scid  }
0x8b: {  	s0 =	sand.u32 $0x1, s1  }
0x8c: {  	s17 =	sshll.u32 s0, $0xA;
	s2 =	sadd.s32 s3, s2  }
0x8d: {  	s2 =	sadd.s32 s2, s17  }
0x8e: {  	[smem:$0x3FC2] =	sst s2  }
0x8f: {  	_ = 	snop  }
0x90: {  	s2 =	sld [smem:$0x3FD0];
	(tm) =	ssettm $0x1  }
0x91: {  	s18 =	sld [smem:$0x3FFB];
	_ =	sdelay $0x3  }
0x92: {  	_ =	strace s18  }
0x93: {  	s3 =	sld [smem:$0x3FFC];
	_ =	sdelay $0x3  }
0x94: {  	_ =	strace s3  }
0x95: {  	s3 =	sld [smem:$0x3FFD];
	_ =	sdelay $0x3  }
0x96: {  	_ =	strace s3  }
0x97: {  	_ =	strace $0x8FFFFFFF  }
0x98: {  	s19 =	sld [smem:$0x3FDB];
	_ =	sdelay $0x1  }
0x99: {  	s4 =	simm.s32 $_scs_section_size  }
0x9a: {  	s5 =	simm.s32 $_size__tile_overlayer_lowered;
	s6 =	simm.s32 $_tile_overlayer_lowered  }
0x9b: {  	s22 =	simm.s32 $0x1BFF;
	s21 =	sshll.u32 s6, $0x1;
	s3 =	sadd.s32 s4, s19  }
0x9c: {  	s7 =	simm.s32 $0x0;
	s20 =	sshll.u32 s5, $0x1;
	s5 =	sadd.s32 s21, s3  }
0x9d: {  	[timem:s7], [sflag:s22] =	dma.local [hbm:s5], s20  }
0x9e: {  	_ =	swait.ge [sflag:s22], s20  }
0x9f: {  	s4 =	ssub.s32 $0x0, s20;
	[sflag:s22] =	ssyncset.done $0x0  }
0xa0: {  	[sflag:s22] =	ssyncadd.s32 s4;
	_ =	sdelay $0x1  }
0xa1: {  	s23 =	simm.s32 $0x1B8B  }
0xa2: {  	_ =	swait.ge [sflag:s23], $0x1  }
0xa3: {  	[sflag:s23] =	ssyncset.done $0x0  }
0xa4: {  	s25 =	simm.s32 $0x1B8E;
	s24 =	sld [smem:$0x3FFE];
	[sflag:s23] =	ssyncadd.s32 $0xFFFFFFFF  }
0xa5: {  	s26 =	simm.s32 $execute0_lowered;
	[smem:$0x3FD2] =	sst s25  }
0xa6: {  	s5 =	sshll.u32 s26, $0x1;
	_ =	strace $0x80000049;
	[dreg:$0x1] =	wrdreg $0xFFFFFFFF  }
0xa7: {  	s28 =	simm.s32 $_size_execute0_lowered;
	s3 =	sadd.s32 s3, s5;
	[dreg:$0x0] =	wrdreg $0x0  }
0xa8: {  	s5 =	sshll.u32 s28, $0x1;
	[dreg:$0x2] =	wrdreg s3  }
0xa9: {  	[dreg:$0x3] =	wrdreg s5  }
0xaa: {  	[dreg:$0x4] =	wrdreg $0xC0  }
0xab: {  	_ =	task [dreg:s7], $0x5FFFF  }
0xac: {  	[dreg:$0x1] =	wrdreg $0xFFFFFFFF  }
0xad: {  	[dreg:$0x0] =	wrdreg $0x60  }
0xae: {  	[dreg:$0x2] =	wrdreg s24  }
0xaf: {  	[dreg:$0x3] =	wrdreg s2  }
0xb0: {  	[dreg:$0x4] =	wrdreg $0x0  }
0xb1: {  	[dreg:$0x5] =	wrdreg $0x9  }
0xb2: {  	_ =	task.clear_ibuf [dreg:s7], $0x6FFFF;
	_ =	strace $0x90000049  }
0xb3: {  	s29 =	simm.s32 $0x9;
	_ =	strace $0x8000004B  }
0xb4: {  	_ =	swait.ge [sflag:s29], $0x1  }
0xb5: {  	[sflag:s29] =	ssyncadd.s32 $0xFFFFFFFF  }
0xb6: {  	_ =	strace $0x9000004B  }
0xb7: {  	_ =	sfence  }
0xb8: {  	s30 =	sld [smem:$0x0];
	_ =	sdelay $0x2  }
0xb9: {  	s31 =	sshll.u32 s1, $0xD;
	s1 =	sshrl.u32 s1, $0x2  }
0xba: {  	s3 =	sand.u32 $0x4000, s31;
	s1 =	sadd.s32 s1, s30  }
0xbb: {  	s0 =	sor.u32 s3, s0;
	s1 =	sshll.u32 s1, $0x11  }
0xbc: {  	s0 =	sor.u32 s1, s0  }
0xbd: {  	s0 =	sadd.s32 $0x8F2B, s0  }
0xbe: {  	[sflag:s0] =	ssyncadd.remote.s32 $0x1  }
0xbf: {  	_ =	sfence.sel $0xFFFF  }
0xc0: {  	[dreg:$0x0] =	wrdreg $0xFFFFFFFF;
	(pc) =	sbr.abs _section_cstart, $3  }
0xc1: {  	[dreg:$0x1] =	wrdreg $0xFFFFFFFF  }
0xc2: {  	_ =	task.clear_ibuf [dreg:s7], $0x2FFFF;
	_ =	strace $0x9FFFFFFF  }
0xc3: {  	(tm) =	ssettm $0x7FFFFFFF  }
tec
execute0_lowered:
.L_overlay_start_1:
0x0: {  	(tag) =	ssettag $0x1  }
0x1: {  	s25 =	rddreg [dreg:$0x0]  }
0x2: {  	s4 =	rddreg [dreg:$0x1]  }
0x3: {  	s2 =	rddreg [dreg:$0x2];
	s1 =	stileid.u32  }
0x4: {  	s0 =	rddreg [dreg:$0x3];
	s3 =	simm.s32 $0x0;
	s5 =	srdreg.scid  }
0x5: {  	s26 =	smul.u32 $0x1900, s1;
	[smem:$0x7FF] =	sst s3  }
0x6: {  	s28 =	sand.u32 $0x1, s5;
	s30 =	sshll.u32 s1, $0x6;
	_ =	strace $0x8000004A  }
0x7: {  	s5 =	sor.u32 $0x1C05, s30;
	s29 =	sshrl.u32 s26, $0x3;
	s6 =	sadd.s32 s26, s2  }
0x8: {  	s4 =	sadd.s32 s4, s29;
	s7 =	sshrl.u32 s6, $0x3;
	s6 =	simm.s32 $0x5  }
0x9: {  	[spmem:s7], [sflag:s5] =	dma.local [hbm:s4], $0x320  }
0xa: {  	s9 =	sshll.u32 s28, $0x4;
	_ =	swait.ge [sflag:s6], $0x320  }
0xb: {  	s8 =	sadd.s32 $0x188400, s25;
	s9 =	sor.u32 s1, s9;
	[sflag:s6] =	ssyncset.done $0x0  }
0xc: {  	s29 =	smul.u32 $0x30D40, s9;
	s9 =	simm.s32 $0xDC50;
	[sflag:s6] =	ssyncadd.s32 $0xFFFFFCE0  }
0xd: {  	[tilespmem:s9], [sflag:$0x5] =	stream.linear.gather [hbm4b:s8+s3], $0x61A8, $0x38;
	[tilespmem:$0x13DF8] =	vst v63  }
0xe: {  	_ =	swait.ge [sflag:s6], $0x61A8  }
0xf: {  	s24 =	sadd.s32 $0x1A00, s25;
	s10 =	sshrl.u32 s29, $0x3;
	[sflag:s6] =	ssyncset.done $0x0  }
0x10: {  	s11 =	simm.s32 $0x1900;
	s23 =	sadd.s32 s24, s10;
	[sflag:s6] =	ssyncadd.s32 $0xFFFF9E58  }
0x11: {  	s12 =	simm.s32 $0x1;
	s10 =	sadd.s32 $0xC3500, s23;
	[bflag:$0x0] =	sbarrier.arrive $0xFFFF  }
0x12: {  	[tilespmem:s11], [sflag:$0x1] =	stream.linear.gather [hbm4b:s10+s3], $0x61A8, $0x38;
	[tilespmem:$0x13DF8] =	vst v63  }
0x13: {  	s13 =	sadd.s32 $0x6209A8, s29;
	_ =	swait.ge [sflag:s12], $0x61A8  }
0x14: {  	s13 =	sshrl.u32 s13, $0x3;
	[sflag:s12] =	ssyncset.done $0x0  }
0x15: {  	s14 =	simm.s32 $0x7AA8;
	s13 =	sadd.s32 s24, s13;
	[sflag:s12] =	ssyncadd.s32 $0xFFFF9E58  }
0x16: {  	[tilespmem:s14], [sflag:$0x2] =	stream.linear.gather [hbm4b:s13+s3], $0x61A8, $0x38;
	[tilespmem:$0x13DF8] =	vst v63  }
0x17: {  	s15 =	simm.s32 $0x61A8;
	s16 =	simm.s32 $0x2  }
0x18: {  	[spmem:s2] =	stream.indirect.scatter.add.f32 [tilespmem:s9], [sflag:$0x3], $0x1, s11, s15, $0xb8;
	[tilespmem:$0x13DF8] =	vst v63  }
0x19: {  	_ =	swait.ge [sflag:s16], $0x61A8  }
0x1a: {  	[sflag:s16] =	ssyncset.done $0x0  }
0x1b: {  	s17 =	simm.s32 $0x3;
	[sflag:s16] =	ssyncadd.s32 $0xFFFF9E58  }
0x1c: {  	_ =	swait.ge [sflag:s17], $0x61A8  }
0x1d: {  	[sflag:s17] =	ssyncset.done $0x0  }
0x1e: {  	s18 =	sadd.s32 $0xC4D6A, s23;
	[sflag:s17] =	ssyncadd.s32 $0xFFFF9E58  }
0x1f: {  	[tilespmem:s11], [sflag:$0x1] =	stream.linear.gather [hbm4b:s18+s3], $0x61A8, $0x38;
	[tilespmem:$0x13DF8] =	vst v63  }
0x20: {  	_ = 	snop  }
0x21: {  	[spmem:s2] =	stream.indirect.scatter.add.f32 [tilespmem:s9], [sflag:$0x4], $0x1, s14, s15, $0xb8;
	[tilespmem:$0x13DF8] =	vst v63  }
0x22: {  	_ =	swait.ge [sflag:s12], $0x61A8  }
0x23: {  	[sflag:s12] =	ssyncset.done $0x0  }
0x24: {  	s19 =	simm.s32 $0x4;
	[sflag:s12] =	ssyncadd.s32 $0xFFFF9E58  }
0x25: {  	s20 =	sadd.s32 $0x62CCF8, s29;
	_ =	swait.ge [sflag:s19], $0x61A8  }
0x26: {  	s20 =	sshrl.u32 s20, $0x3;
	[sflag:s19] =	ssyncset.done $0x0  }
0x27: {  	s20 =	sadd.s32 s24, s20;
	[sflag:s19] =	ssyncadd.s32 $0xFFFF9E58  }
0x28: {  	[tilespmem:s14], [sflag:$0x2] =	stream.linear.gather [hbm4b:s20+s3], $0x61A8, $0x38;
	[tilespmem:$0x13DF8] =	vst v63  }
0x29: {  	_ = 	snop  }
0x2a: {  	[spmem:s2] =	stream.indirect.scatter.add.f32 [tilespmem:s9], [sflag:$0x3], $0x1, s11, s15, $0xb8;
	[tilespmem:$0x13DF8] =	vst v63  }
0x2b: {  	_ =	swait.ge [sflag:s16], $0x61A8  }
0x2c: {  	[sflag:s16] =	ssyncset.done $0x0  }
0x2d: {  	[sflag:s16] =	ssyncadd.s32 $0xFFFF9E58  }
0x2e: {  	_ =	swait.ge [sflag:s17], $0x61A8  }
0x2f: {  	[sflag:s17] =	ssyncset.done $0x0  }
0x30: {  	s21 =	sadd.s32 $0xC65D4, s23;
	[sflag:s17] =	ssyncadd.s32 $0xFFFF9E58  }
0x31: {  	[tilespmem:s11], [sflag:$0x1] =	stream.linear.gather [hbm4b:s21+s3], $0x61A8, $0x38;
	[tilespmem:$0x13DF8] =	vst v63  }
0x32: {  	_ = 	snop  }
0x33: {  	[spmem:s2] =	stream.indirect.scatter.add.f32 [tilespmem:s9], [sflag:$0x4], $0x1, s14, s15, $0xb8;
	[tilespmem:$0x13DF8] =	vst v63  }
0x34: {  	_ =	swait.ge [sflag:s12], $0x61A8  }
0x35: {  	[sflag:s12] =	ssyncset.done $0x0  }
0x36: {  	[sflag:s12] =	ssyncadd.s32 $0xFFFF9E58  }
0x37: {  	s22 =	sadd.s32 $0x639048, s29;
	_ =	swait.ge [sflag:s19], $0x61A8  }
0x38: {  	s22 =	sshrl.u32 s22, $0x3;
	[sflag:s19] =	ssyncset.done $0x0  }
0x39: {  	s22 =	sadd.s32 s24, s22;
	[sflag:s19] =	ssyncadd.s32 $0xFFFF9E58  }
0x3a: {  	[tilespmem:s14], [sflag:$0x2] =	stream.linear.gather [hbm4b:s22+s3], $0x61A8, $0x38;
	[tilespmem:$0x13DF8] =	vst v63  }
0x3b: {  	_ = 	snop  }
0x3c: {  	[spmem:s2] =	stream.indirect.scatter.add.f32 [tilespmem:s9], [sflag:$0x3], $0x1, s11, s15, $0xb8;
	[tilespmem:$0x13DF8] =	vst v63  }
0x3d: {  	_ =	swait.ge [sflag:s16], $0x61A8  }
0x3e: {  	[sflag:s16] =	ssyncset.done $0x0  }
0x3f: {  	[sflag:s16] =	ssyncadd.s32 $0xFFFF9E58  }
0x40: {  	_ =	swait.ge [sflag:s17], $0x61A8  }
0x41: {  	[sflag:s17] =	ssyncset.done $0x0  }
0x42: {  	s23 =	sadd.s32 $0xC7E3E, s23;
	[sflag:s17] =	ssyncadd.s32 $0xFFFF9E58  }
0x43: {  	[tilespmem:s11], [sflag:$0x1] =	stream.linear.gather [hbm4b:s23+s3], $0x61A8, $0x38;
	[tilespmem:$0x13DF8] =	vst v63  }
0x44: {  	_ = 	snop  }
0x45: {  	[spmem:s2] =	stream.indirect.scatter.add.f32 [tilespmem:s9], [sflag:$0x4], $0x1, s14, s15, $0xb8;
	[tilespmem:$0x13DF8] =	vst v63  }
0x46: {  	_ =	swait.ge [sflag:s12], $0x61A8  }
0x47: {  	[sflag:s12] =	ssyncset.done $0x0  }
0x48: {  	[sflag:s12] =	ssyncadd.s32 $0xFFFF9E58  }
0x49: {  	s29 =	sadd.s32 $0x645398, s29;
	_ =	swait.ge [sflag:s19], $0x61A8  }
0x4a: {  	s29 =	sshrl.u32 s29, $0x3;
	[sflag:s19] =	ssyncset.done $0x0  }
0x4b: {  	s24 =	sadd.s32 s24, s29;
	[sflag:s19] =	ssyncadd.s32 $0xFFFF9E58  }
0x4c: {  	[tilespmem:s14], [sflag:$0x2] =	stream.linear.gather [hbm4b:s24+s3], $0x61A8, $0x38;
	[tilespmem:$0x13DF8] =	vst v63  }
0x4d: {  	_ = 	snop  }
0x4e: {  	[spmem:s2] =	stream.indirect.scatter.add.f32 [tilespmem:s9], [sflag:$0x3], $0x1, s11, s15, $0xb8;
	[tilespmem:$0x13DF8] =	vst v63  }
0x4f: {  	_ =	swait.ge [sflag:s16], $0x61A8  }
0x50: {  	[sflag:s16] =	ssyncset.done $0x0  }
0x51: {  	s31 =	smul.u32 $0x19000, s28;
	[sflag:s16] =	ssyncadd.s32 $0xFFFF9E58  }
0x52: {  	s28 =	ssub.s32 $0x2, s28;
	_ =	swait.ge [sflag:s17], $0x61A8  }
0x53: {  	s30 =	sshrl.u32 s28, $0x1;
	s26 =	sadd.s32 s26, s31;
	[sflag:s17] =	ssyncset.done $0x0  }
0x54: {  	s31 =	ssub.s32 s28, s30;
	s26 =	sshrl.u32 s26, $0x3;
	[sflag:s17] =	ssyncadd.s32 $0xFFFF9E58  }
0x55: {  	[spmem:s2] =	stream.indirect.scatter.add.f32 [tilespmem:s9], [sflag:$0x4], $0x1, s14, s15, $0xb8;
	[tilespmem:$0x13DF8] =	vst v63  }
0x56: {  	s25 =	sadd.s32 s26, s25;
	s26 =	smax.u32 s31, $0x1;
	_ =	swait.ge [sflag:s19], $0x61A8  }
0x57: {  	p0 =	sne.s32 s26, $0x1;
	[sflag:s19] =	ssyncset.done $0x0  }
.Ltmp0:
0x58: {  	[sflag:s19] =	ssyncadd.s32 $0xFFFF9E58;
	(pc) =	sbr.rel @!p0 .LBB2_2-.Ltmp0, $4  }
0x59: {  	s25 =	sadd.s32 $0x189200, s25;
	[bflag:$0x0] =	sbarrier.arrive $0xFFFF  }
0x5a: {  	[hbm:s25], [sflag:s5] =	dma.local [spmem:s7], $0x320  }
0x5b: {  	_ =	swait.ge [sflag:s6], $0x320  }
0x5c: {  	s26 =	sadd.s32 $0xFFFFFFFF, s26;
	[sflag:s6] =	ssyncset.done $0x0  }
.LBB2_1:
0x5d: {  	p0 =	sne.s32 s26, $0x1;
	s26 =	sadd.s32 $0xFFFFFFFF, s26;
	[sflag:s6] =	ssyncadd.s32 $0xFFFFFCE0  }
0x5e: {  	[spmem:s7], [sflag:s5] =	dma.local [hbm:s4], $0x320  }
0x5f: {  	_ =	swait.ge [sflag:s6], $0x320  }
0x60: {  	[sflag:s6] =	ssyncset.done $0x0  }
0x61: {  	[sflag:s6] =	ssyncadd.s32 $0xFFFFFCE0  }
0x62: {  	[tilespmem:s9], [sflag:$0x5] =	stream.linear.gather [hbm4b:s8+s3], $0x61A8, $0x38;
	[tilespmem:$0x13DF8] =	vst v63  }
0x63: {  	_ =	swait.ge [sflag:s6], $0x61A8  }
0x64: {  	[sflag:s6] =	ssyncset.done $0x0  }
0x65: {  	[sflag:s6] =	ssyncadd.s32 $0xFFFF9E58  }
0x66: {  	[bflag:$0x0] =	sbarrier.arrive $0xFFFF  }
0x67: {  	[tilespmem:s11], [sflag:$0x1] =	stream.linear.gather [hbm4b:s10+s3], $0x61A8, $0x38;
	[tilespmem:$0x13DF8] =	vst v63  }
0x68: {  	_ =	swait.ge [sflag:s12], $0x61A8  }
0x69: {  	[sflag:s12] =	ssyncset.done $0x0  }
0x6a: {  	[sflag:s12] =	ssyncadd.s32 $0xFFFF9E58  }
0x6b: {  	[tilespmem:s14], [sflag:$0x2] =	stream.linear.gather [hbm4b:s13+s3], $0x61A8, $0x38;
	[tilespmem:$0x13DF8] =	vst v63  }
0x6c: {  	_ = 	snop  }
0x6d: {  	[spmem:s2] =	stream.indirect.scatter.add.f32 [tilespmem:s9], [sflag:$0x3], $0x1, s11, s15, $0xb8;
	[tilespmem:$0x13DF8] =	vst v63  }
0x6e: {  	_ =	swait.ge [sflag:s16], $0x61A8  }
0x6f: {  	[sflag:s16] =	ssyncset.done $0x0  }
0x70: {  	[sflag:s16] =	ssyncadd.s32 $0xFFFF9E58  }
0x71: {  	_ =	swait.ge [sflag:s17], $0x61A8  }
0x72: {  	[sflag:s17] =	ssyncset.done $0x0  }
0x73: {  	[sflag:s17] =	ssyncadd.s32 $0xFFFF9E58  }
0x74: {  	[tilespmem:s11], [sflag:$0x1] =	stream.linear.gather [hbm4b:s18+s3], $0x61A8, $0x38;
	[tilespmem:$0x13DF8] =	vst v63  }
0x75: {  	_ = 	snop  }
0x76: {  	[spmem:s2] =	stream.indirect.scatter.add.f32 [tilespmem:s9], [sflag:$0x4], $0x1, s14, s15, $0xb8;
	[tilespmem:$0x13DF8] =	vst v63  }
0x77: {  	_ =	swait.ge [sflag:s12], $0x61A8  }
0x78: {  	[sflag:s12] =	ssyncset.done $0x0  }
0x79: {  	[sflag:s12] =	ssyncadd.s32 $0xFFFF9E58  }
0x7a: {  	_ =	swait.ge [sflag:s19], $0x61A8  }
0x7b: {  	[sflag:s19] =	ssyncset.done $0x0  }
0x7c: {  	[sflag:s19] =	ssyncadd.s32 $0xFFFF9E58  }
0x7d: {  	[tilespmem:s14], [sflag:$0x2] =	stream.linear.gather [hbm4b:s20+s3], $0x61A8, $0x38;
	[tilespmem:$0x13DF8] =	vst v63  }
0x7e: {  	_ = 	snop  }
0x7f: {  	[spmem:s2] =	stream.indirect.scatter.add.f32 [tilespmem:s9], [sflag:$0x3], $0x1, s11, s15, $0xb8;
	[tilespmem:$0x13DF8] =	vst v63  }
0x80: {  	_ =	swait.ge [sflag:s16], $0x61A8  }
0x81: {  	[sflag:s16] =	ssyncset.done $0x0  }
0x82: {  	[sflag:s16] =	ssyncadd.s32 $0xFFFF9E58  }
0x83: {  	_ =	swait.ge [sflag:s17], $0x61A8  }
0x84: {  	[sflag:s17] =	ssyncset.done $0x0  }
0x85: {  	[sflag:s17] =	ssyncadd.s32 $0xFFFF9E58  }
0x86: {  	[tilespmem:s11], [sflag:$0x1] =	stream.linear.gather [hbm4b:s21+s3], $0x61A8, $0x38;
	[tilespmem:$0x13DF8] =	vst v63  }
0x87: {  	_ = 	snop  }
0x88: {  	[spmem:s2] =	stream.indirect.scatter.add.f32 [tilespmem:s9], [sflag:$0x4], $0x1, s14, s15, $0xb8;
	[tilespmem:$0x13DF8] =	vst v63  }
0x89: {  	_ =	swait.ge [sflag:s12], $0x61A8  }
0x8a: {  	[sflag:s12] =	ssyncset.done $0x0  }
0x8b: {  	[sflag:s12] =	ssyncadd.s32 $0xFFFF9E58  }
0x8c: {  	_ =	swait.ge [sflag:s19], $0x61A8  }
0x8d: {  	[sflag:s19] =	ssyncset.done $0x0  }
0x8e: {  	[sflag:s19] =	ssyncadd.s32 $0xFFFF9E58  }
0x8f: {  	[tilespmem:s14], [sflag:$0x2] =	stream.linear.gather [hbm4b:s22+s3], $0x61A8, $0x38;
	[tilespmem:$0x13DF8] =	vst v63  }
0x90: {  	_ = 	snop  }
0x91: {  	[spmem:s2] =	stream.indirect.scatter.add.f32 [tilespmem:s9], [sflag:$0x3], $0x1, s11, s15, $0xb8;
	[tilespmem:$0x13DF8] =	vst v63  }
0x92: {  	_ =	swait.ge [sflag:s16], $0x61A8  }
0x93: {  	[sflag:s16] =	ssyncset.done $0x0  }
0x94: {  	[sflag:s16] =	ssyncadd.s32 $0xFFFF9E58  }
0x95: {  	_ =	swait.ge [sflag:s17], $0x61A8  }
0x96: {  	[sflag:s17] =	ssyncset.done $0x0  }
0x97: {  	[sflag:s17] =	ssyncadd.s32 $0xFFFF9E58  }
0x98: {  	[tilespmem:s11], [sflag:$0x1] =	stream.linear.gather [hbm4b:s23+s3], $0x61A8, $0x38;
	[tilespmem:$0x13DF8] =	vst v63  }
0x99: {  	_ = 	snop  }
0x9a: {  	[spmem:s2] =	stream.indirect.scatter.add.f32 [tilespmem:s9], [sflag:$0x4], $0x1, s14, s15, $0xb8;
	[tilespmem:$0x13DF8] =	vst v63  }
0x9b: {  	_ =	swait.ge [sflag:s12], $0x61A8  }
0x9c: {  	[sflag:s12] =	ssyncset.done $0x0  }
0x9d: {  	[sflag:s12] =	ssyncadd.s32 $0xFFFF9E58  }
0x9e: {  	_ =	swait.ge [sflag:s19], $0x61A8  }
0x9f: {  	[sflag:s19] =	ssyncset.done $0x0  }
0xa0: {  	[sflag:s19] =	ssyncadd.s32 $0xFFFF9E58  }
0xa1: {  	[tilespmem:s14], [sflag:$0x2] =	stream.linear.gather [hbm4b:s24+s3], $0x61A8, $0x38;
	[tilespmem:$0x13DF8] =	vst v63  }
0xa2: {  	_ = 	snop  }
0xa3: {  	[spmem:s2] =	stream.indirect.scatter.add.f32 [tilespmem:s9], [sflag:$0x3], $0x1, s11, s15, $0xb8;
	[tilespmem:$0x13DF8] =	vst v63  }
0xa4: {  	_ =	swait.ge [sflag:s16], $0x61A8  }
0xa5: {  	[sflag:s16] =	ssyncset.done $0x0  }
0xa6: {  	[sflag:s16] =	ssyncadd.s32 $0xFFFF9E58  }
0xa7: {  	_ =	swait.ge [sflag:s17], $0x61A8  }
0xa8: {  	[sflag:s17] =	ssyncset.done $0x0  }
0xa9: {  	[sflag:s17] =	ssyncadd.s32 $0xFFFF9E58  }
0xaa: {  	[spmem:s2] =	stream.indirect.scatter.add.f32 [tilespmem:s9], [sflag:$0x4], $0x1, s14, s15, $0xb8;
	[tilespmem:$0x13DF8] =	vst v63  }
0xab: {  	_ =	swait.ge [sflag:s19], $0x61A8  }
0xac: {  	[sflag:s19] =	ssyncset.done $0x0  }
.Ltmp1:
0xad: {  	[sflag:s19] =	ssyncadd.s32 $0xFFFF9E58;
	(pc) =	sbr.rel @p0 .LBB2_1-.Ltmp1, $4  }
0xae: {  	[bflag:$0x0] =	sbarrier.arrive $0xFFFF  }
0xaf: {  	[hbm:s25], [sflag:s5] =	dma.local [spmem:s7], $0x320  }
0xb0: {  	_ =	swait.ge [sflag:s6], $0x320  }
0xb1: {  	[sflag:s6] =	ssyncset.done $0x0  }
.LBB2_2:
0xb2: {  	[sflag:s6] =	ssyncadd.s32 $0xFFFFFCE0  }
0xb3: {  	_ =	sfence.sel $0x180000  }
0xb4: {  	[bflag:$0x0] =	sbarrier.arrive $0xFFFF  }
0xb5: {  	p0 =	sne.s32 s1, $0x0;
	_ =	strace $0x9000004A  }
0xb6: {  	s0 =	sadd.s32 @!p0 $0x100000, s0;
	[bflag:$0x2] =	sbarrier.arrive $0xFFFF  }
0xb7: {  	[sflag:s0] =	ssyncadd.tile.s32 @!p0 $0x1;
	_ =	shalt  }
.Lfunc_end2:
_tile_overlayer_lowered:
.L_overlay_start_2:
0xb8: {  	(tag) =	ssettag $0x2  }
0xb9: {  	s0 =	rddreg [dreg:$0x0];
	s2 =	stileid.u32  }
0xba: {  	s1 =	rddreg [dreg:$0x1];
	p0 =	sne.s32 s2, $0x0  }
0xbb: {  	s3 =	rddreg [dreg:$0x2];
	[bflag:$0x3] =	sbarrier.arrive $0xFFFF;
	s2 =	simm.s32 @!p0 $0x1C05  }
0xbc: {  	[timem:s3], [sflag:s2] =	dma.local @!p0 [hbm:s0], s1  }
0xbd: {  	s0 =	simm.s32 @!p0 $0x5  }
0xbe: {  	_ =	swait.ge @!p0 [sflag:s0], s1  }
0xbf: {  	s1 =	ssub.s32 @!p0 $0x0, s1;
	[sflag:s0] =	ssyncset.done @!p0 $0x0  }
0xc0: {  	[sflag:s0] =	ssyncadd.s32 @!p0 s1  }
0xc1: {  	[bflag:$0x3] =	sbarrier.arrive $0xFFFF  }
0xc2: {  	_ =	shalt  }

// kernel: sparse-core-data-format-call.cloned.1.call-start
scs
called_computation_lowered:
.L_overlay_start_0:
0x0: {  	s2 =	sld [smem:$0x3FD9]  }
0x1: {  	s3 =	sld [smem:$0x3FFE];
	_ =	sdelay $0x1  }
0x2: {  	s1 =	srdreg.scid  }
0x3: {  	s0 =	sand.u32 $0x1, s1  }
0x4: {  	s18 =	sshll.u32 s0, $0xA;
	s2 =	sadd.s32 s3, s2  }
0x5: {  	s2 =	sadd.s32 s2, s18  }
0x6: {  	[smem:$0x3FC2] =	sst s2  }
0x7: {  	_ = 	snop  }
0x8: {  	s2 =	sld [smem:$0x3FC8];
	(tm) =	ssettm $0x1  }
0x9: {  	s19 =	sld [smem:$0x3FFB];
	_ =	sdelay $0x3  }
0xa: {  	_ =	strace s19  }
0xb: {  	s3 =	sld [smem:$0x3FFC];
	_ =	sdelay $0x3  }
0xc: {  	_ =	strace s3  }
0xd: {  	s3 =	sld [smem:$0x3FFD];
	_ =	sdelay $0x3  }
0xe: {  	_ =	strace s3  }
0xf: {  	_ =	strace $0x8FFFFFFF  }
0x10: {  	s20 =	sld [smem:$0x3FDB];
	_ =	sdelay $0x1  }
0x11: {  	s4 =	simm.s32 $_scs_section_size  }
0x12: {  	s5 =	simm.s32 $_size__tile_overlayer_lowered;
	s6 =	simm.s32 $_tile_overlayer_lowered  }
0x13: {  	s23 =	simm.s32 $0x1BFF;
	s22 =	sshll.u32 s6, $0x1;
	s3 =	sadd.s32 s4, s20  }
0x14: {  	s7 =	simm.s32 $0x0;
	s21 =	sshll.u32 s5, $0x1;
	s5 =	sadd.s32 s22, s3  }
0x15: {  	[timem:s7], [sflag:s23] =	dma.local [hbm:s5], s21  }
0x16: {  	_ =	swait.ge [sflag:s23], s21  }
0x17: {  	s4 =	ssub.s32 $0x0, s21;
	[sflag:s23] =	ssyncset.done $0x0  }
0x18: {  	[sflag:s23] =	ssyncadd.s32 s4;
	_ =	sdelay $0x1  }
0x19: {  	s24 =	simm.s32 $0x1B8B  }
0x1a: {  	_ =	swait.ge [sflag:s24], $0x1  }
0x1b: {  	[sflag:s24] =	ssyncset.done $0x0  }
0x1c: {  	s26 =	simm.s32 $0x1B8E;
	s25 =	sld [smem:$0x3FFE];
	[sflag:s24] =	ssyncadd.s32 $0xFFFFFFFF  }
0x1d: {  	s27 =	simm.s32 $execute0_lowered;
	[smem:$0x3FD2] =	sst s26  }
0x1e: {  	s5 =	sshll.u32 s27, $0x1;
	_ =	strace $0x80000046;
	[dreg:$0x1] =	wrdreg $0xFFFFFFFF  }
0x1f: {  	s28 =	simm.s32 $_size_execute0_lowered;
	s3 =	sadd.s32 s3, s5;
	[dreg:$0x0] =	wrdreg $0x0  }
0x20: {  	s5 =	sshll.u32 s28, $0x1;
	[dreg:$0x2] =	wrdreg s3  }
0x21: {  	[dreg:$0x3] =	wrdreg s5  }
0x22: {  	[dreg:$0x4] =	wrdreg $0xC0  }
0x23: {  	_ =	task [dreg:s7], $0x5FFFF  }
0x24: {  	[dreg:$0x1] =	wrdreg $0xFFFFFFFF  }
0x25: {  	[dreg:$0x0] =	wrdreg $0x60  }
0x26: {  	[dreg:$0x2] =	wrdreg s2  }
0x27: {  	[dreg:$0x3] =	wrdreg s25  }
0x28: {  	[dreg:$0x4] =	wrdreg $0x9  }
0x29: {  	_ =	task.clear_ibuf [dreg:s7], $0x5FFFF;
	_ =	strace $0x90000046  }
0x2a: {  	s29 =	simm.s32 $0x9;
	_ =	strace $0x80000048  }
0x2b: {  	_ =	swait.ge [sflag:s29], $0x1  }
0x2c: {  	[sflag:s29] =	ssyncadd.s32 $0xFFFFFFFF  }
0x2d: {  	_ =	strace $0x90000048  }
0x2e: {  	_ =	sfence  }
0x2f: {  	s30 =	sld [smem:$0x0];
	_ =	sdelay $0x2  }
0x30: {  	s31 =	sshll.u32 s1, $0xD;
	s1 =	sshrl.u32 s1, $0x2  }
0x31: {  	s3 =	sand.u32 $0x4000, s31;
	s1 =	sadd.s32 s1, s30  }
0x32: {  	s0 =	sor.u32 s3, s0;
	s1 =	sshll.u32 s1, $0x11  }
0x33: {  	s0 =	sor.u32 s1, s0  }
0x34: {  	s0 =	sadd.s32 $0x8F2B, s0  }
0x35: {  	[sflag:s0] =	ssyncadd.remote.s32 $0x1  }
0x36: {  	_ =	sfence.sel $0xFFFF  }
0x37: {  	[dreg:$0x0] =	wrdreg $0xFFFFFFFF;
	(pc) =	sbr.abs _section_cstart, $3  }
0x38: {  	[dreg:$0x1] =	wrdreg $0xFFFFFFFF  }
0x39: {  	_ =	task.clear_ibuf [dreg:s7], $0x2FFFF;
	_ =	strace $0x9FFFFFFF  }
0x3a: {  	(tm) =	ssettm $0x7FFFFFFF  }
0x3b: {  	_ =	shalt  }
tec
execute0_lowered:
.L_overlay_start_1:
0x0: {  	(tag) =	ssettag $0x1  }
0x1: {  	s0 =	stileid.u32;
	s7 =	rddreg [dreg:$0x0]  }
0x2: {  	s1 =	srdreg.scid;
	s4 =	rddreg [dreg:$0x1]  }
0x3: {  	s30 =	simm.s32 $0x2;
	s10 =	simm.s32 $0x0;
	s14 =	simm.s32 $0x0  }
0x4: {  	s15 =	simm.s32 $0x0;
	s11 =	simm.s32 $0x0;
	s13 =	simm.s32 $0x0  }
0x5: {  	s2 =	sand.u32 $0x1, s1;
	s3 =	sshll.u32 s0, $0x7;
	s1 =	rddreg [dreg:$0x2]  }
0x6: {  	_ =	strace $0x80000047;
	s5 =	ssub.s32 $0xC300, s3;
	s6 =	ssub.s32 $0x2, s2  }
.Ltmp0:
0x7: {  	s5 =	sshrl.u32 s5, $0xB;
	s8 =	sshrl.u32 s6, $0x1;
	(pc) =	sbr.rel .LBB1_1-.Ltmp0, $4  }
0x8: {  	s4 =	sadd.s32 $0x1A00, s4;
	s9 =	sadd.s32 $0x1, s5;
	s6 =	ssub.s32 s6, s8  }
0x9: {  	s31 =	sshll.u32 s2, $0x4;
	s5 =	simm.s32 $0x1;
	s6 =	smul.u32 s9, s6  }
0xa: {  	s12 =	smov.u32 s3;
	s7 =	sadd.s32 s7, s31;
	[sflag:s5] =	ssyncpa.u1 $0x0  }
0xb: {  	s9 =	simm.s32 $0x0;
	[sflag:s30] =	ssyncpa.u1 $0x0;
	s8 =	sadd.s32 $0x1, s6  }
.LBB1_4:
0xc: {  	s21 =	simm.s32 $0x0  }
.LBB1_8:
0xd: {  	_ =	sdelay $0x3  }
0xe: {  	v6 =	vld [tilespmem:s18+$0xFFFFFFC0];
	[tilespmem:v0+s20+$0x30 ss:$0x1] =	vst.idx.msk @p0 $0xffff, v2  }
0xf: {  	v58 =	vld [tilespmem:s18+$0xFFFFFFD0];
	[tilespmem:v0+s20+$0x40 ss:$0x1] =	vst.idx.msk @p0 $0xffff, v3;
	s21 =	sadd.s32 @p0 $0x80, s21  }
0x10: {  	v59 =	vld [tilespmem:s18+$0xFFFFFFE0];
	[tilespmem:v0+s20+$0x50 ss:$0x1] =	vst.idx.msk @p0 $0xffff, v5;
	s19 =	smov.u32 @p0 s21  }
0x11: {  	v60 =	vld [tilespmem:s18+$0xFFFFFFF0];
	[tilespmem:v0+s20+$0x60 ss:$0x1] =	vst.idx.msk @p0 $0xffff, v4;
	s19 =	sand.u32 $0x3F80, s19  }
0x12: {  	v61 =	vld [tilespmem:s18+$0x0];
	[tilespmem:v0+s19+$0x70 ss:$0x1] =	vst.idx.msk $0xffff, v1  }
0x13: {  	v62 =	vld [tilespmem:s18+$0x10];
	[tilespmem:v0+s19+$0x0 ss:$0x1] =	vst.idx.msk $0xffff, v6  }
0x14: {  	v63 =	vld [tilespmem:s18+$0x20];
	[tilespmem:v0+s19+$0x10 ss:$0x1] =	vst.idx.msk $0xffff, v58  }
0x15: {  	[tilespmem:v0+s19+$0x20 ss:$0x1] =	vst.idx.msk $0xffff, v59  }
0x16: {  	[tilespmem:v0+s19+$0x30 ss:$0x1] =	vst.idx.msk $0xffff, v60  }
0x17: {  	[tilespmem:v0+s19+$0x40 ss:$0x1] =	vst.idx.msk $0xffff, v61  }
0x18: {  	[tilespmem:v0+s19+$0x50 ss:$0x1] =	vst.idx.msk $0xffff, v62  }
0x19: {  	[tilespmem:v0+s19+$0x60 ss:$0x1] =	vst.idx.msk $0xffff, v63  }
.LBB1_9:
0x1a: {  	s18 =	sand.u32 $0x1FFFFFF, s11  }
0x1b: {  	s19 =	smulhi.u32 $0x14F8B59, s18;
	_ =	sdelay $0x1  }
0x1c: {  	s19 =	sshrl.u32 s19, $0x8  }
0x1d: {  	s19 =	smul.u32 $0xC350, s19  }
0x1e: {  	s15 =	smul.u32 $0xC3500, s15  }
0x1f: {  	s18 =	ssub.s32 s18, s19  }
0x20: {  	s15 =	sadd.s32 s4, s15;
	s18 =	sshll.u32 s18, $0x4  }
0x21: {  	s15 =	sadd.s32 s18, s15  }
0x22: {  	[hbm4b:s15+s9] =	stream.linear.scatter [tilespmem:s17], [sflag:$0x2], s16, $0x38;
	[tilespmem:$0x10000] =	vst v63  }
.LBB1_10:
0x23: {  	p0 =	slt.u32 s13, $0x2  }
0x24: {  	p1 =	sgt.s32 @!p0 s14, $0xC2D0  }
0x25: {  	s15 =	smov.u32 s14;
	s16 =	sshra.s32 @!p0 s14, $0x1F;
	p1 =	por !p1, p0  }
0x26: {  	s14 =	sand.u32 @!p0 s16, s14;
	s15 =	simm.s32 @p1 $0xC2D0  }
0x27: {  	s14 =	ssub.s32 @!p0 s15, s14  }
0x28: {  	s14 =	sadd.s32 @!p0 $0xFFFF3D30, s14  }
0x29: {  	s15 =	sshll.u32 @!p0 s14, $0x7  }
0x2a: {  	p1 =	sgt.s32 @!p0 s14, $0x7F;
	s14 =	ssub.s32 @!p0 $0x4000, s15  }
0x2b: {  	s16 =	sadd.s32 $0x800, s12;
	p1 =	por !p1, p0;
	s14 =	sand.u32 @!p0 $0x3FFFFF80, s14  }
0x2c: {  	s14 =	simm.s32 @!p1 $0x0;
	p1 =	sgt.s32 s16, $0xC34F  }
0x2d: {  	s16 =	smov.u32 @p1 s3;
	p1 =	sne.s32 s13, s8  }
.Ltmp1:
0x2e: {  	_ = 	snop;
	(pc) =	sbr.rel @!p1 .LBB1_11-.Ltmp1, $4  }
0x2f: {  	s10 =	sadd.s32 $0x4000, s10;
	s15 =	simm.s32 @!p0 $0x2  }
0x30: {  	_ =	swait.ge @!p0 [sflag:s15], s14;
	s17 =	ssub.s32 @!p0 $0x0, s14;
	s14 =	smov.u32 s11  }
0x31: {  	s13 =	sadd.s32 $0x1, s13;
	s11 =	smov.u32 s12;
	[sflag:s15] =	ssyncset.done @!p0 $0x0  }
0x32: {  	s12 =	smov.u32 s16;
	[sflag:s15] =	ssyncadd.s32 @!p0 s17;
	s15 =	smov.u32 s2  }
.LBB1_1:
0x33: {  	p0 =	sge.u32 s13, s6  }
0x34: {  	p1 =	sgt.s32 @!p0 s12, $0xC2D0  }
0x35: {  	s16 =	smov.u32 s12;
	s17 =	sshra.s32 @!p0 s12, $0x1F;
	p1 =	por !p1, p0  }
0x36: {  	s17 =	sand.u32 @!p0 s17, s12;
	s16 =	simm.s32 @p1 $0xC2D0  }
0x37: {  	s16 =	ssub.s32 @!p0 s16, s17  }
0x38: {  	s31 =	sadd.s32 $0xFFFFFFFF, s13;
	s18 =	sxor.u32 @!p0 $0xFFFFFFFF, s13;
	s16 =	sadd.s32 @!p0 $0xFFFF3D30, s16  }
0x39: {  	s19 =	simm.s32 @!p0 $0x80;
	s20 =	simm.s32 @!p0 $0x100;
	s17 =	sshll.u32 @!p0 s16, $0x7  }
0x3a: {  	p1 =	sgt.s32 @!p0 s16, $0x7F;
	s16 =	ssub.s32 @!p0 $0x4000, s17;
	s17 =	sshll.u32 @!p0 s18, $0xE  }
0x3b: {  	p1 =	por !p1, p0;
	s18 =	sshll.u32 @!p0 s12, $0x5;
	s16 =	sand.u32 @!p0 $0x3FFFFF80, s16  }
0x3c: {  	s17 =	sand.u32 @!p0 $0x4000, s17;
	s18 =	sadd.s32 @!p0 s18, s7;
	s16 =	simm.s32 @!p1 $0x0  }
0x3d: {  	[tilespmem:s17], [sflag:$0x1] =	stream.strided.gather @!p0 [hbm4b:s18+s19], s16, s20, s19, $0x38;
	[tilespmem:$0x10000] =	vst v63  }
0x3e: {  	p0 =	sge.u32 s31, s6  }
.Ltmp2:
0x3f: {  	_ = 	snop;
	(pc) =	sbr.rel @p0 .LBB1_10-.Ltmp2, $1  }
0x40: {  	_ =	sdelay $0x3  }
0x41: {  	p0 =	sgt.s32 s11, $0xC2D0;
	s16 =	smov.u32 s11;
	s17 =	sshra.s32 s11, $0x1F  }
0x42: {  	s16 =	simm.s32 @!p0 $0xC2D0;
	s17 =	sand.u32 s17, s11  }
0x43: {  	s16 =	ssub.s32 s16, s17  }
0x44: {  	s16 =	sadd.s32 $0xFFFF3D30, s16  }
0x45: {  	s30 =	sshll.u32 s16, $0x7  }
0x46: {  	s17 =	ssub.s32 $0x4000, s30  }
0x47: {  	p0 =	sgt.s32 s16, $0x7F;
	s16 =	sand.u32 $0x3FFFFF80, s17;
	s17 =	sadd.s32 $0x80, s11  }
0x48: {  	s16 =	simm.s32 @p0 $0x0;
	p0 =	slt.s32 s17, $0xC350  }
0x49: {  	s17 =	simm.s32 @!p0 $0xC350  }
0x4a: {  	s20 =	ssub.s32 s17, s11  }
0x4b: {  	p0 =	slt.s32 s20, $0x1  }
.Ltmp3:
0x4c: {  	_ = 	snop;
	(pc) =	sbr.rel @p0 .LBB1_9-.Ltmp3, $4  }
0x4d: {  	_ = 	snop  }
0x4e: {  	s19 =	sshll.u32 s13, $0xE;
	_ =	swait.ge [sflag:s5], s16  }
0x4f: {  	s31 =	sand.u32 $0x4000, s19;
	s18 =	ssub.s32 $0x0, s16;
	[sflag:s5] =	ssyncset.done $0x0  }
0x50: {  	s17 =	sor.u32 $0x8000, s31;
	[sflag:s5] =	ssyncadd.s32 s18  }
0x51: {  	p1 =	sne.s32 s20, $0x1  }
.Ltmp4:
0x52: {  	v0 =	vmov s17;
	(pc) =	sbr.rel @!p1 .LBB1_4-.Ltmp4, $4  }
0x53: {  	_ = 	snop  }
0x54: {  	s18 =	sand.u32 $0x4000, s10  }
0x55: {  	s18 =	sor.u32 $0x40, s18  }
0x56: {  	s19 =	simm.s32 $0x0;
	s21 =	sadd.s32 $0xFFFFFFFF, s20;
	p0 =	por $0x0, $0x0;
	v1 =	vld [tilespmem:s18+$0x30]  }
0x57: {  	v4 =	vld [tilespmem:s18+$0xFFFFFFC0]  }
0x58: {  	v6 =	vld [tilespmem:s18+$0xFFFFFFD0]  }
0x59: {  	v7 =	vld [tilespmem:s18+$0xFFFFFFE0];
	p1 =	sne.s32 s21, $0x1  }
.Ltmp5:
0x5a: {  	v2 =	vld [tilespmem:s18+$0xFFFFFFF0];
	s20 =	sand.u32 $0x3F80, s19;
	(pc) =	sbr.rel @!p1 .LBB1_6-.Ltmp5, $4  }
0x5b: {  	v3 =	vld [tilespmem:s18+$0x0];
	[tilespmem:v0+s20+$0x70 ss:$0x1] =	vst.idx.msk $0xffff, v1  }
0x5c: {  	v5 =	vld [tilespmem:s18+$0x10];
	[tilespmem:v0+s20+$0x0 ss:$0x1] =	vst.idx.msk $0xffff, v4  }
0x5d: {  	v4 =	vld [tilespmem:s18+$0x20];
	[tilespmem:v0+s20+$0x10 ss:$0x1] =	vst.idx.msk $0xffff, v6;
	s18 =	sadd.s32 $0x80, s18  }
0x5e: {  	s22 =	sadd.s32 $0xFFFFFFFF, s21;
	p0 =	por $0x1, $0x1;
	s21 =	simm.s32 $0x0;
	[tilespmem:v0+s20+$0x20 ss:$0x1] =	vst.idx.msk $0xffff, v7;
	v1 =	vld [tilespmem:s18+$0x30]  }
.LBB1_7:
0x5f: {  	p1 =	sne.s32 s22, $0x1;
	v6 =	vld [tilespmem:s18+$0xFFFFFFC0];
	[tilespmem:v0+s20+$0x30 ss:$0x1] =	vst.idx.msk $0xffff, v2  }
0x60: {  	v7 =	vld [tilespmem:s18+$0xFFFFFFD0];
	[tilespmem:v0+s20+$0x40 ss:$0x1] =	vst.idx.msk $0xffff, v3  }
0x61: {  	s21 =	sadd.s32 $0x80, s21;
	v8 =	vld [tilespmem:s18+$0xFFFFFFE0];
	[tilespmem:v0+s20+$0x50 ss:$0x1] =	vst.idx.msk $0xffff, v5  }
.Ltmp6:
0x62: {  	v2 =	vld [tilespmem:s18+$0xFFFFFFF0];
	[tilespmem:v0+s20+$0x60 ss:$0x1] =	vst.idx.msk $0xffff, v4;
	s20 =	sand.u32 $0x3F80, s21;
	(pc) =	sbr.rel @p1 .LBB1_7-.Ltmp6, $4  }
0x63: {  	v3 =	vld [tilespmem:s18+$0x0];
	[tilespmem:v0+s20+$0x70 ss:$0x1] =	vst.idx.msk $0xffff, v1  }
0x64: {  	[tilespmem:v0+s20+$0x0 ss:$0x1] =	vst.idx.msk $0xffff, v6;
	v5 =	vld [tilespmem:s18+$0x10]  }
0x65: {  	[tilespmem:v0+s20+$0x10 ss:$0x1] =	vst.idx.msk $0xffff, v7;
	v4 =	vld [tilespmem:s18+$0x20];
	s18 =	sadd.s32 $0x80, s18  }
0x66: {  	s22 =	sadd.s32 $0xFFFFFFFF, s22;
	v1 =	vld [tilespmem:s18+$0x30];
	[tilespmem:v0+s20+$0x20 ss:$0x1] =	vst.idx.msk $0xffff, v8  }
.Ltmp7:
0x67: {  	_ = 	snop;
	(pc) =	sbr.rel .LBB1_8-.Ltmp7, $1  }
0x68: {  	_ =	sdelay $0x3  }
.LBB1_6:
.Ltmp8:
0x69: {  	(pc) =	sbr.rel .LBB1_8-.Ltmp8, $2  }
0x6a: {  	_ =	sdelay $0x2  }
0x6b: {  	s21 =	simm.s32 $0x0  }
.LBB1_11:
0x6c: {  	_ =	sfence.sel $0x180000  }
0x6d: {  	s2 =	simm.s32 $0x1;
	[bflag:$0x0] =	sbarrier.arrive $0xFFFF  }
0x6e: {  	s31 =	simm.s32 $0x2;
	[sflag:s2] =	ssyncpa.u1 $0x1  }
0x6f: {  	[sflag:s31] =	ssyncpa.u1 $0x1  }
0x70: {  	p0 =	sne.s32 s0, $0x0;
	_ =	strace $0x90000047  }
0x71: {  	s0 =	sadd.s32 @!p0 $0x100000, s1;
	[bflag:$0x2] =	sbarrier.arrive $0xFFFF  }
0x72: {  	[sflag:s0] =	ssyncadd.tile.s32 @!p0 $0x1;
	_ =	shalt  }
.Lfunc_end1:
_tile_overlayer_lowered:
.L_overlay_start_2:
0x73: {  	(tag) =	ssettag $0x2  }
0x74: {  	s0 =	rddreg [dreg:$0x0];
	s2 =	stileid.u32  }
0x75: {  	s1 =	rddreg [dreg:$0x1];
	p0 =	sne.s32 s2, $0x0  }
0x76: {  	s3 =	rddreg [dreg:$0x2];
	[bflag:$0x3] =	sbarrier.arrive $0xFFFF;
	s2 =	simm.s32 @!p0 $0x1C01  }
0x77: {  	[timem:s3], [sflag:s2] =	dma.local @!p0 [hbm:s0], s1  }
0x78: {  	s0 =	simm.s32 @!p0 $0x1  }
0x79: {  	_ =	swait.ge @!p0 [sflag:s0], s1  }
0x7a: {  	s1 =	ssub.s32 @!p0 $0x0, s1;
	[sflag:s0] =	ssyncset.done @!p0 $0x0  }
0x7b: {  	[sflag:s0] =	ssyncadd.s32 @!p0 s1  }
0x7c: {  	[bflag:$0x3] =	sbarrier.arrive $0xFFFF  }
0x7d: {  	_ =	shalt  }

</sc_bundles>
